<compile_context>
chip_gen: v7x
topology: tpu7x:2x2x1
jax: 0.10.2.dev20260603
libtpu: 0.0.44.dev20260713+nightly
codegen_flags: <defaults>
</compile_context>

<pallas_src>
import functools

import jax
import jax.numpy as jnp
import numpy as np
from jax import lax
from jax.experimental import pallas as pl
from jax.experimental.pallas import tpu as pltpu
from jax.experimental.pallas import tpu_sc as plsc

B, C, H, W = 4, 19, 512, 512
NPIX = B * H * W

CONF_TH = 0.9
FRACTION = 0.66
NB = 1024
NB0 = 128
T0 = float(-np.log(np.float32(CONF_TH)).astype(np.float32))
HI = 3.0
SCALE0 = float(np.float32(NB0 / T0))
SCALE1 = float(np.float32((NB - NB0) / (HI - T0)))

NW = 32
CHUNK = NPIX // NW
HB = C * NB

BH = 256
RPW = CHUNK // W


def _stats_body(pred_ref, packed_ref):
    m = pred_ref[0, 0]
    lab = jnp.zeros_like(m, dtype=jnp.int32)
    for c in range(1, C):
        xc = pred_ref[0, c]
        upd = xc > m
        lab = jnp.where(upd, c, lab)
        m = jnp.where(upd, xc, m)
    s = jnp.zeros_like(m)
    for c in range(C):
        s = s + jnp.exp(pred_ref[0, c] - m)
    bits = jax.lax.bitcast_convert_type(jnp.log(s), jnp.int32)
    packed = (bits & jnp.int32(~0x1F)) | lab
    for g in range(BH // RPW):
        packed_ref[g] = packed[g * RPW:(g + 1) * RPW]


def _stats(pred):
    return pl.pallas_call(
        _stats_body,
        grid=(B, H // BH),
        in_specs=[pl.BlockSpec((1, C, BH, W), lambda b, h: (b, 0, h, 0))],
        out_specs=[
            pl.BlockSpec((BH // RPW, RPW, W), lambda b, h: (b * (H // BH) + h, 0, 0))
        ],
        out_shape=[jax.ShapeDtypeStruct((NW, RPW, W), jnp.int32)],
    )(pred)[0]


def _hist_body(packed_hbm, out_hbm, pk_v, hist_v, sem):
    wid = lax.axis_index("s") * 2 + lax.axis_index("c")
    cp = pltpu.make_async_copy(packed_hbm.at[wid], pk_v, sem)
    cp.start()

    zeros16 = jnp.zeros((16,), jnp.float32)
    nsl = NB // 16

    @plsc.parallel_loop(0, HB // 16, unroll=8)
    def _zero(i):
        hist_v[i // nsl, pl.ds((i % nsl) * 16, 16)] = zeros16

    cp.wait()

    ones16 = jnp.ones((16,), jnp.float32)

    @plsc.parallel_loop(0, CHUNK // 16, unroll=4)
    def _scan(i):
        r = i >> 5
        col = (i & 31) * 16
        w = pk_v[r, pl.ds(col, 16)]
        lb = w & jnp.int32(0x1F)
        v = plsc.bitcast(w & jnp.int32(~0x1F), jnp.float32)
        b_lo = jnp.minimum((v * SCALE0).astype(jnp.int32), NB0 - 1)
        b_hi = jnp.minimum(NB0 + ((v - T0) * SCALE1).astype(jnp.int32), NB - 1)
        b_i = jnp.where(v < T0, b_lo, b_hi)
        plsc.addupdate_scatter(hist_v, [lb, b_i], ones16)

    pltpu.sync_copy(hist_v, out_hbm.at[wid])


def _hist(packed):
    mesh = plsc.VectorSubcoreMesh(core_axis_name="c", subcore_axis_name="s")
    k = functools.partial(
        pl.kernel,
        mesh=mesh,
        out_type=jax.ShapeDtypeStruct((NW, C, NB), jnp.float32),
        compiler_params=pltpu.CompilerParams(needs_layout_passes=False),
        scratch_types=[
            pltpu.VMEM((RPW, W), jnp.int32),
            pltpu.VMEM((C, NB), jnp.float32),
            pltpu.SemaphoreType.DMA,
        ],
    )(_hist_body)
    return k(packed)


def _finalize_body(t_ref, out_ref):
    t = t_ref[...]
    parts = []
    for b in range(B):
        acc = t[b * (NW // B)]
        for j in range(1, NW // B):
            acc = acc + t[b * (NW // B) + j]
        parts.append(acc)
    hist = jnp.stack(parts, axis=0)
    j = jax.lax.broadcasted_iota(jnp.int32, (B, C, NB), 2).astype(jnp.float32)
    centers = jnp.where(
        j < NB0,
        (j + 0.5) * np.float32(1.0 / SCALE0),
        np.float32(T0) + (j - NB0 + 0.5) * np.float32(1.0 / SCALE1),
    )
    n_c = jnp.sum(hist, axis=-1, keepdims=True)
    n_conf = jnp.sum(hist[:, :, :NB0], axis=-1, keepdims=True)
    k = jnp.floor(n_c * np.float32(FRACTION))
    keff = jnp.maximum(k, n_conf)
    cum = hist
    sh = 1
    while sh < NB:
        cum = cum + jnp.concatenate(
            [jnp.zeros((B, C, sh), jnp.float32), cum[:, :, : NB - sh]], axis=-1
        )
        sh *= 2
    excl = cum - hist
    take = jnp.clip(keff - excl, 0.0, hist)
    total_sum = jnp.sum(take * centers)
    total_cnt = jnp.sum(keff)
    out_ref[...] = (total_sum / total_cnt).reshape(1, 1)


def _finalize(part):
    return pl.pallas_call(
        _finalize_body,
        out_shape=jax.ShapeDtypeStruct((1, 1), jnp.float32),
    )(part)


def kernel(pred):
    packed = _stats(pred)
    part = _hist(packed)
    loss = _finalize(part)
    return loss[0, 0]

# --- scband reference (transcript-rebuilt; emitter-appended) ---
"""Pipeline reference for scband-self-training-loss-24885040513252 (READ-ONLY COPY).

The authoritative reference and input builder live on the scoring server;
editing this copy changes nothing except your own understanding.
"""

import jax, jax.numpy as jnp
import numpy as np

CONF_TH = 0.9
FRACTION = 0.66
IGNORE_INDEX = 255
LAMBDA = 1.0


def setup_inputs(seed: int = 0) -> dict:
    key = jax.random.key(seed)
    pred = jax.random.normal(key, (4, 19, 512, 512), dtype=jnp.float32)
    return {"pred": pred}


def _get_image_mask(prob, pseudo_lab):
    # prob: [C, H, W] softmax probabilities (already detached semantics)
    max_prob = jnp.max(prob, axis=0)  # [H, W]
    if 0.0 < CONF_TH < 1.0:
        mask_prob = max_prob > CONF_TH
    else:
        mask_prob = jnp.zeros(max_prob.shape, dtype=bool)
    mask_topk = jnp.zeros(max_prob.shape, dtype=bool)
    if 0.0 < FRACTION < 1.0:
        num_classes = prob.shape[0]
        flat_size = max_prob.size
        for c in range(num_classes):
            mask_c = pseudo_lab == c
            max_prob_c = jnp.where(mask_c, max_prob, 0.0)
            n_c = jnp.sum(mask_c).astype(jnp.float32)
            k = jnp.floor(n_c * FRACTION).astype(jnp.int32)  # matches int(mask_c.sum() * fraction)
            order = jnp.argsort(-max_prob_c.reshape(-1), stable=True)
            ranks = (
                jnp.zeros((flat_size,), dtype=jnp.int32)
                .at[order]
                .set(jnp.arange(flat_size, dtype=jnp.int32))
            )
            mask_topk_c = (ranks < k).reshape(max_prob_c.shape)
            mask_c = mask_c & mask_topk_c
            mask_topk = mask_topk | mask_c
    return mask_prob | mask_topk


def _compute_pseudo_lab(pred):
    # teacher is None -> pseudo_lab = pred.detach().max(1)[1]
    pseudo_lab = jnp.argmax(pred, axis=1)  # [B, H, W]
    prob = jax.nn.softmax(pred, axis=1)
    masks = [_get_image_mask(prob[b], pseudo_lab[b]) for b in range(pred.shape[0])]
    mask = jnp.stack(masks, axis=0)
    # pseudo_lab[~mask] = ignore_index
    pseudo_lab = jnp.where(mask, pseudo_lab, IGNORE_INDEX)
    return pseudo_lab


def reference(pred):
    pseudo_lab = _compute_pseudo_lab(pred)
    # F.cross_entropy(pred, pseudo_lab, ignore_index=255, reduction='none'), then
    # loss = loss[pseudo_lab != 255].mean() * lambda
    log_probs = jax.nn.log_softmax(pred, axis=1)
    valid = pseudo_lab != IGNORE_INDEX
    safe_lab = jnp.where(valid, pseudo_lab, 0)
    nll = -jnp.take_along_axis(log_probs, safe_lab[:, None, :, :], axis=1)[:, 0]
    loss_sum = jnp.sum(jnp.where(valid, nll, 0.0))
    count = jnp.sum(valid).astype(jnp.float32)
    return (loss_sum / count) * LAMBDA

if __name__ == "__main__":
    import jax
    _d = setup_inputs()
    print(jax.jit(kernel)(*tuple(_d.values())))

</pallas_src>

<mosaic_0001>
#map = affine_map<(d0, d1) -> (0, 0, 0)>
module attributes {stable_mosaic.version = 14 : i64} {
  func.func @_hist_body(%arg0: i32, %arg1: i32, %arg2: memref<32x64x512xi32, #tpu.memory_space<hbm>>, %arg3: memref<32x19x1024xf32, #tpu.memory_space<hbm>>, %arg4: memref<64x512xi32, #tpu.memory_space<vmem>>, %arg5: memref<19x1024xf32, #tpu.memory_space<vmem>>, %arg6: memref<!tpu.dma_semaphore, #tpu.memory_space<semaphore_mem>>) attributes {dimension_semantics = [#tpu.dimension_semantics<core_parallel>, #tpu.dimension_semantics<subcore_parallel>], iteration_bounds = array<i64: 2, 16>, scalar_prefetch = 0 : i64, scratch_operands = 3 : i64, tpu.core_type = #tpu.core_type<sc_vector_subcore>, window_params = [{transform_indices = #map}, {transform_indices = #map}]} {
    %mul3A = arith.constant 2 : i32
    %mul3A_0 = arith.muli %arg1, %mul3A : i32
    %add3A = arith.addi %mul3A_0, %arg0 : i32
    %dma_start3A = arith.constant 0 : i32
    %dma_start3A_1 = arith.constant 0 : i32
    %dma_start3A_2 = tpu.memref_slice %arg2[%add3A, %dma_start3A, %dma_start3A_1] : memref<32x64x512xi32, #tpu.memory_space<hbm>> -> memref<1x64x512xi32, #tpu.memory_space<hbm>>
    %dma_start3A_3 = tpu.memref_squeeze %dma_start3A_2 : memref<1x64x512xi32, #tpu.memory_space<hbm>> -> memref<64x512xi32, #tpu.memory_space<hbm>>
    %dma_start3A_4 = arith.constant 0 : i32
    %dma_start3A_5 = arith.constant 0 : i32
    %dma_start3A_6 = tpu.memref_slice %arg2[%add3A, %dma_start3A_4, %dma_start3A_5] : memref<32x64x512xi32, #tpu.memory_space<hbm>> -> memref<1x64x512xi32, #tpu.memory_space<hbm>>
    %dma_start3A_7 = tpu.memref_squeeze %dma_start3A_6 : memref<1x64x512xi32, #tpu.memory_space<hbm>> -> memref<64x512xi32, #tpu.memory_space<hbm>>
    tpu.enqueue_dma source(%dma_start3A_7 : memref<64x512xi32, #tpu.memory_space<hbm>>) target(%arg4 : memref<64x512xi32, #tpu.memory_space<vmem>>) target_semaphore(%arg6 : memref<!tpu.dma_semaphore, #tpu.memory_space<semaphore_mem>>)
    %broadcast_in_dim3A = arith.constant 0.000000e+00 : f32
    %broadcast_in_dim3A_8 = vector.broadcast %broadcast_in_dim3A : f32 to vector<16xf32>
    %parallel_loop3A = arith.constant 0 : i32
    %parallel_loop3A_9 = arith.constant 1216 : i32
    %parallel_loop3A_10 = arith.constant 1 : i32
    scf.for %parallel_loop3A_23 = %parallel_loop3A to %parallel_loop3A_9 step %parallel_loop3A_10  : i32 {
      %parallel_loop3A_24 = arith.constant 64 : i32
      %parallel_loop3A_25 = arith.divsi %parallel_loop3A_23, %parallel_loop3A_24 : i32
      %parallel_loop3A_26 = arith.constant 0 : i32
      %parallel_loop3A_27 = arith.cmpi sgt, %parallel_loop3A_23, %parallel_loop3A_26 : i32
      %parallel_loop3A_28 = arith.extui %parallel_loop3A_27 : i1 to i32
      %parallel_loop3A_29 = arith.constant 0 : i32
      %parallel_loop3A_30 = arith.cmpi slt, %parallel_loop3A_23, %parallel_loop3A_29 : i32
      %parallel_loop3A_31 = arith.extui %parallel_loop3A_30 : i1 to i32
      %parallel_loop3A_32 = arith.subi %parallel_loop3A_28, %parallel_loop3A_31 : i32
      %parallel_loop3A_33 = arith.constant 0 : i32
      %parallel_loop3A_34 = arith.cmpi sgt, %parallel_loop3A_24, %parallel_loop3A_33 : i32
      %parallel_loop3A_35 = arith.extui %parallel_loop3A_34 : i1 to i32
      %parallel_loop3A_36 = arith.constant 0 : i32
      %parallel_loop3A_37 = arith.cmpi slt, %parallel_loop3A_24, %parallel_loop3A_36 : i32
      %parallel_loop3A_38 = arith.extui %parallel_loop3A_37 : i1 to i32
      %parallel_loop3A_39 = arith.subi %parallel_loop3A_35, %parallel_loop3A_38 : i32
      %parallel_loop3A_40 = arith.cmpi ne, %parallel_loop3A_32, %parallel_loop3A_39 : i32
      %parallel_loop3A_41 = arith.remsi %parallel_loop3A_23, %parallel_loop3A_24 : i32
      %parallel_loop3A_42 = arith.constant 0 : i32
      %parallel_loop3A_43 = arith.cmpi ne, %parallel_loop3A_41, %parallel_loop3A_42 : i32
      %parallel_loop3A_44 = arith.andi %parallel_loop3A_40, %parallel_loop3A_43 : i1
      %parallel_loop3A_45 = arith.constant 1 : i32
      %parallel_loop3A_46 = arith.subi %parallel_loop3A_25, %parallel_loop3A_45 : i32
      %parallel_loop3A_47 = arith.select %parallel_loop3A_44, %parallel_loop3A_46, %parallel_loop3A_25 : i32
      %parallel_loop3A_48 = arith.constant 64 : i32
      %parallel_loop3A_49 = arith.constant 0 : i32
      %parallel_loop3A_50 = arith.cmpi eq, %parallel_loop3A_48, %parallel_loop3A_49 : i32
      %parallel_loop3A_51 = arith.constant 1 : i32
      %parallel_loop3A_52 = arith.select %parallel_loop3A_50, %parallel_loop3A_51, %parallel_loop3A_48 : i32
      %parallel_loop3A_53 = arith.remsi %parallel_loop3A_23, %parallel_loop3A_52 : i32
      %parallel_loop3A_54 = arith.constant 0 : i32
      %parallel_loop3A_55 = arith.cmpi ne, %parallel_loop3A_53, %parallel_loop3A_54 : i32
      %parallel_loop3A_56 = arith.constant 0 : i32
      %parallel_loop3A_57 = arith.cmpi slt, %parallel_loop3A_53, %parallel_loop3A_56 : i32
      %parallel_loop3A_58 = arith.constant 0 : i32
      %parallel_loop3A_59 = arith.cmpi slt, %parallel_loop3A_52, %parallel_loop3A_58 : i32
      %parallel_loop3A_60 = arith.xori %parallel_loop3A_57, %parallel_loop3A_59 : i1
      %parallel_loop3A_61 = arith.andi %parallel_loop3A_60, %parallel_loop3A_55 : i1
      %parallel_loop3A_62 = arith.addi %parallel_loop3A_53, %parallel_loop3A_52 : i32
      %parallel_loop3A_63 = arith.select %parallel_loop3A_61, %parallel_loop3A_62, %parallel_loop3A_53 : i32
      %parallel_loop3A_64 = arith.constant 16 : i32
      %parallel_loop3A_65 = arith.muli %parallel_loop3A_63, %parallel_loop3A_64 : i32
      %parallel_loop3A_66 = arith.index_cast %parallel_loop3A_47 : i32 to index
      %parallel_loop3A_67 = arith.index_cast %parallel_loop3A_65 : i32 to index
      %parallel_loop3A_68 = tpu.vector_load %arg5[%parallel_loop3A_66, %parallel_loop3A_67] {strides = array<i32>} : memref<19x1024xf32, #tpu.memory_space<vmem>>, vector<16xf32>,
      tpu.vector_store %arg5[%parallel_loop3A_66, %parallel_loop3A_67], %broadcast_in_dim3A_8 {strides = array<i32>} : memref<19x1024xf32, #tpu.memory_space<vmem>>, vector<16xf32>,
    } {sc.loop_unroll_factor = 8 : i64, sc.parallel_access}
    %dma_wait3A = arith.constant 0 : i32
    %dma_wait3A_11 = arith.constant 0 : i32
    %dma_wait3A_12 = tpu.memref_slice %arg2[%add3A, %dma_wait3A, %dma_wait3A_11] : memref<32x64x512xi32, #tpu.memory_space<hbm>> -> memref<1x64x512xi32, #tpu.memory_space<hbm>>
    %dma_wait3A_13 = tpu.memref_squeeze %dma_wait3A_12 : memref<1x64x512xi32, #tpu.memory_space<hbm>> -> memref<64x512xi32, #tpu.memory_space<hbm>>
    %dma_wait3A_14 = arith.constant 0 : i32
    %dma_wait3A_15 = arith.constant 0 : i32
    %dma_wait3A_16 = tpu.memref_slice %arg2[%add3A, %dma_wait3A_14, %dma_wait3A_15] : memref<32x64x512xi32, #tpu.memory_space<hbm>> -> memref<1x64x512xi32, #tpu.memory_space<hbm>>
    %dma_wait3A_17 = tpu.memref_squeeze %dma_wait3A_16 : memref<1x64x512xi32, #tpu.memory_space<hbm>> -> memref<64x512xi32, #tpu.memory_space<hbm>>
    tpu.wait_dma2 semaphore(%arg6 : memref<!tpu.dma_semaphore, #tpu.memory_space<semaphore_mem>>) src(%dma_wait3A_17 : memref<64x512xi32, #tpu.memory_space<hbm>>) dst(%arg4 : memref<64x512xi32, #tpu.memory_space<vmem>>)
    %broadcast_in_dim3A_18 = arith.constant 1.000000e+00 : f32
    %broadcast_in_dim3A_19 = vector.broadcast %broadcast_in_dim3A_18 : f32 to vector<16xf32>
    %parallel_loop3A_20 = arith.constant 0 : i32
    %parallel_loop3A_21 = arith.constant 2048 : i32
    %parallel_loop3A_22 = arith.constant 1 : i32
    scf.for %parallel_loop3A_23 = %parallel_loop3A_20 to %parallel_loop3A_21 step %parallel_loop3A_22  : i32 {
      %parallel_loop3A_24 = arith.constant 5 : i32
      %parallel_loop3A_25 = arith.shrsi %parallel_loop3A_23, %parallel_loop3A_24 : i32
      %parallel_loop3A_26 = arith.constant 31 : i32
      %parallel_loop3A_27 = arith.andi %parallel_loop3A_23, %parallel_loop3A_26 : i32
      %parallel_loop3A_28 = arith.constant 16 : i32
      %parallel_loop3A_29 = arith.muli %parallel_loop3A_27, %parallel_loop3A_28 : i32
      %parallel_loop3A_30 = arith.index_cast %parallel_loop3A_25 : i32 to index
      %parallel_loop3A_31 = arith.index_cast %parallel_loop3A_29 : i32 to index
      %parallel_loop3A_32 = tpu.vector_load %arg4[%parallel_loop3A_30, %parallel_loop3A_31] {strides = array<i32>} : memref<64x512xi32, #tpu.memory_space<vmem>>, vector<16xi32>,
      %parallel_loop3A_33 = arith.constant 31 : i32
      %parallel_loop3A_34 = vector.broadcast %parallel_loop3A_33 : i32 to vector<16xi32>
      %parallel_loop3A_35 = arith.andi %parallel_loop3A_32, %parallel_loop3A_34 : vector<16xi32>
      %parallel_loop3A_36 = arith.constant -32 : i32
      %parallel_loop3A_37 = vector.broadcast %parallel_loop3A_36 : i32 to vector<16xi32>
      %parallel_loop3A_38 = arith.andi %parallel_loop3A_32, %parallel_loop3A_37 : vector<16xi32>
      %parallel_loop3A_39 = vector.bitcast %parallel_loop3A_38 : vector<16xi32> to vector<16xf32>
      %parallel_loop3A_40 = arith.constant 1214.87598 : f32
      %parallel_loop3A_41 = vector.broadcast %parallel_loop3A_40 : f32 to vector<16xf32>
      %parallel_loop3A_42 = arith.mulf %parallel_loop3A_39, %parallel_loop3A_41 : vector<16xf32>
      %parallel_loop3A_43 = arith.fptosi %parallel_loop3A_42 : vector<16xf32> to vector<16xi32>
      %parallel_loop3A_44 = arith.constant 127 : i32
      %parallel_loop3A_45 = vector.broadcast %parallel_loop3A_44 : i32 to vector<16xi32>
      %parallel_loop3A_46 = arith.minsi %parallel_loop3A_43, %parallel_loop3A_45 : vector<16xi32>
      %parallel_loop3A_47 = arith.constant 0.105360545 : f32
      %parallel_loop3A_48 = vector.broadcast %parallel_loop3A_47 : f32 to vector<16xf32>
      %parallel_loop3A_49 = arith.subf %parallel_loop3A_39, %parallel_loop3A_48 : vector<16xf32>
      %parallel_loop3A_50 = arith.constant 309.537689 : f32
      %parallel_loop3A_51 = vector.broadcast %parallel_loop3A_50 : f32 to vector<16xf32>
      %parallel_loop3A_52 = arith.mulf %parallel_loop3A_49, %parallel_loop3A_51 : vector<16xf32>
      %parallel_loop3A_53 = arith.fptosi %parallel_loop3A_52 : vector<16xf32> to vector<16xi32>
      %parallel_loop3A_54 = arith.constant 128 : i32
      %parallel_loop3A_55 = vector.broadcast %parallel_loop3A_54 : i32 to vector<16xi32>
      %parallel_loop3A_56 = arith.addi %parallel_loop3A_55, %parallel_loop3A_53 : vector<16xi32>
      %parallel_loop3A_57 = arith.constant 1023 : i32
      %parallel_loop3A_58 = vector.broadcast %parallel_loop3A_57 : i32 to vector<16xi32>
      %parallel_loop3A_59 = arith.minsi %parallel_loop3A_56, %parallel_loop3A_58 : vector<16xi32>
      %parallel_loop3A_60 = arith.constant 0.105360545 : f32
      %parallel_loop3A_61 = vector.broadcast %parallel_loop3A_60 : f32 to vector<16xf32>
      %parallel_loop3A_62 = arith.cmpf olt, %parallel_loop3A_39, %parallel_loop3A_61 : vector<16xf32>
      %parallel_loop3A_63 = arith.select %parallel_loop3A_62, %parallel_loop3A_46, %parallel_loop3A_59 : vector<16xi1>, vector<16xi32>
      tpu.vector_store_idx %arg5[%parallel_loop3A_35, %parallel_loop3A_63], %broadcast_in_dim3A_19 {add = true} : memref<19x1024xf32, #tpu.memory_space<vmem>>[vector<16xi32>, vector<16xi32>], vector<16xf32>,
    } {sc.loop_unroll_factor = 4 : i64, sc.parallel_access}
    "tpu.region"() ({
      %run_scoped3A = tpu.sem_alloc : memref<!tpu.dma_semaphore, #tpu.memory_space<semaphore_mem>>
      %dma_start3A_23 = arith.constant 0 : i32
      %dma_start3A_24 = arith.constant 0 : i32
      %dma_start3A_25 = tpu.memref_slice %arg3[%add3A, %dma_start3A_23, %dma_start3A_24] : memref<32x19x1024xf32, #tpu.memory_space<hbm>> -> memref<1x19x1024xf32, #tpu.memory_space<hbm>>
      %dma_start3A_26 = tpu.memref_squeeze %dma_start3A_25 : memref<1x19x1024xf32, #tpu.memory_space<hbm>> -> memref<19x1024xf32, #tpu.memory_space<hbm>>
      %dma_start3A_27 = arith.constant 0 : i32
      %dma_start3A_28 = arith.constant 0 : i32
      %dma_start3A_29 = tpu.memref_slice %arg3[%add3A, %dma_start3A_27, %dma_start3A_28] : memref<32x19x1024xf32, #tpu.memory_space<hbm>> -> memref<1x19x1024xf32, #tpu.memory_space<hbm>>
      %dma_start3A_30 = tpu.memref_squeeze %dma_start3A_29 : memref<1x19x1024xf32, #tpu.memory_space<hbm>> -> memref<19x1024xf32, #tpu.memory_space<hbm>>
      tpu.enqueue_dma source(%arg5 : memref<19x1024xf32, #tpu.memory_space<vmem>>) target(%dma_start3A_30 : memref<19x1024xf32, #tpu.memory_space<hbm>>) target_semaphore(%run_scoped3A : memref<!tpu.dma_semaphore, #tpu.memory_space<semaphore_mem>>)
      %dma_wait3A_31 = arith.constant 0 : i32
      %dma_wait3A_32 = arith.constant 0 : i32
      %dma_wait3A_33 = tpu.memref_slice %arg3[%add3A, %dma_wait3A_31, %dma_wait3A_32] : memref<32x19x1024xf32, #tpu.memory_space<hbm>> -> memref<1x19x1024xf32, #tpu.memory_space<hbm>>
      %dma_wait3A_34 = tpu.memref_squeeze %dma_wait3A_33 : memref<1x19x1024xf32, #tpu.memory_space<hbm>> -> memref<19x1024xf32, #tpu.memory_space<hbm>>
      %dma_wait3A_35 = arith.constant 0 : i32
      %dma_wait3A_36 = arith.constant 0 : i32
      %dma_wait3A_37 = tpu.memref_slice %arg3[%add3A, %dma_wait3A_35, %dma_wait3A_36] : memref<32x19x1024xf32, #tpu.memory_space<hbm>> -> memref<1x19x1024xf32, #tpu.memory_space<hbm>>
      %dma_wait3A_38 = tpu.memref_squeeze %dma_wait3A_37 : memref<1x19x1024xf32, #tpu.memory_space<hbm>> -> memref<19x1024xf32, #tpu.memory_space<hbm>>
      tpu.wait_dma2 semaphore(%run_scoped3A : memref<!tpu.dma_semaphore, #tpu.memory_space<semaphore_mem>>) src(%arg5 : memref<19x1024xf32, #tpu.memory_space<vmem>>) dst(%dma_wait3A_38 : memref<19x1024xf32, #tpu.memory_space<hbm>>)
      tpu.yield
    }) : () -> ()
    return
  }
}

module attributes {stable_mosaic.version = 14 : i64} {
  func.func @_stats_body(%arg0: i32, %arg1: i32, %arg2: memref<1x19x256x512xf32, #tpu.memory_space<vmem>>, %arg3: memref<4x64x512xi32, #tpu.memory_space<vmem>>) attributes {dimension_semantics = [#tpu.dimension_semantics<arbitrary>, #tpu.dimension_semantics<arbitrary>], iteration_bounds = array<i64: 4, 2>, scalar_prefetch = 0 : i64, scratch_operands = 0 : i64, tpu.core_type = #tpu.core_type<tc>, window_params = [{transform_indices = @transform_0, window_bounds = array<i64: 1, 19, 256, 512>}, {transform_indices = @transform_1, window_bounds = array<i64: 4, 64, 512>}]} {
    %get3A = arith.constant 0 : index
    %get3A_0 = arith.constant 0 : index
    %get3A_1 = arith.constant 0 : index
    %get3A_2 = arith.constant 0 : index
    %get3A_3 = vector.load %arg2[%get3A, %get3A_0, %get3A_1, %get3A_2] : memref<1x19x256x512xf32, #tpu.memory_space<vmem>>, vector<1x1x256x512xf32>
    %get3A_4 = vector.shape_cast %get3A_3 : vector<1x1x256x512xf32> to vector<256x512xf32>
    %broadcast_in_dim3A = arith.constant 0 : i32
    %broadcast_in_dim3A_5 = vector.broadcast %broadcast_in_dim3A : i32 to vector<256x512xi32>
    %get3A_6 = arith.constant 0 : index
    %get3A_7 = arith.constant 1 : index
    %get3A_8 = arith.constant 0 : index
    %get3A_9 = arith.constant 0 : index
    %get3A_10 = vector.load %arg2[%get3A_6, %get3A_7, %get3A_8, %get3A_9] : memref<1x19x256x512xf32, #tpu.memory_space<vmem>>, vector<1x1x256x512xf32>
    %get3A_11 = vector.shape_cast %get3A_10 : vector<1x1x256x512xf32> to vector<256x512xf32>
    %gt3A = arith.cmpf ogt, %get3A_11, %get3A_4 : vector<256x512xf32>
    %jit3A = arith.constant 1 : i32
    %broadcast_in_dim3A_12 = vector.broadcast %jit3A : i32 to vector<256x512xi32>
    %select_n3A = arith.select %gt3A, %broadcast_in_dim3A_12, %broadcast_in_dim3A_5 : vector<256x512xi1>, vector<256x512xi32>
    %select_n3A_13 = arith.select %gt3A, %get3A_11, %get3A_4 : vector<256x512xi1>, vector<256x512xf32>
    %get3A_14 = arith.constant 0 : index
    %get3A_15 = arith.constant 2 : index
    %get3A_16 = arith.constant 0 : index
    %get3A_17 = arith.constant 0 : index
    %get3A_18 = vector.load %arg2[%get3A_14, %get3A_15, %get3A_16, %get3A_17] : memref<1x19x256x512xf32, #tpu.memory_space<vmem>>, vector<1x1x256x512xf32>
    %get3A_19 = vector.shape_cast %get3A_18 : vector<1x1x256x512xf32> to vector<256x512xf32>
    %gt3A_20 = arith.cmpf ogt, %get3A_19, %select_n3A_13 : vector<256x512xf32>
    %jit3A_21 = arith.constant 2 : i32
    %broadcast_in_dim3A_22 = vector.broadcast %jit3A_21 : i32 to vector<256x512xi32>
    %select_n3A_23 = arith.select %gt3A_20, %broadcast_in_dim3A_22, %select_n3A : vector<256x512xi1>, vector<256x512xi32>
    %select_n3A_24 = arith.select %gt3A_20, %get3A_19, %select_n3A_13 : vector<256x512xi1>, vector<256x512xf32>
    %get3A_25 = arith.constant 0 : index
    %get3A_26 = arith.constant 3 : index
    %get3A_27 = arith.constant 0 : index
    %get3A_28 = arith.constant 0 : index
    %get3A_29 = vector.load %arg2[%get3A_25, %get3A_26, %get3A_27, %get3A_28] : memref<1x19x256x512xf32, #tpu.memory_space<vmem>>, vector<1x1x256x512xf32>
    %get3A_30 = vector.shape_cast %get3A_29 : vector<1x1x256x512xf32> to vector<256x512xf32>
    %gt3A_31 = arith.cmpf ogt, %get3A_30, %select_n3A_24 : vector<256x512xf32>
    %jit3A_32 = arith.constant 3 : i32
    %broadcast_in_dim3A_33 = vector.broadcast %jit3A_32 : i32 to vector<256x512xi32>
    %select_n3A_34 = arith.select %gt3A_31, %broadcast_in_dim3A_33, %select_n3A_23 : vector<256x512xi1>, vector<256x512xi32>
    %select_n3A_35 = arith.select %gt3A_31, %get3A_30, %select_n3A_24 : vector<256x512xi1>, vector<256x512xf32>
    %get3A_36 = arith.constant 0 : index
    %get3A_37 = arith.constant 4 : index
    %get3A_38 = arith.constant 0 : index
    %get3A_39 = arith.constant 0 : index
    %get3A_40 = vector.load %arg2[%get3A_36, %get3A_37, %get3A_38, %get3A_39] : memref<1x19x256x512xf32, #tpu.memory_space<vmem>>, vector<1x1x256x512xf32>
    %get3A_41 = vector.shape_cast %get3A_40 : vector<1x1x256x512xf32> to vector<256x512xf32>
    %gt3A_42 = arith.cmpf ogt, %get3A_41, %select_n3A_35 : vector<256x512xf32>
    %jit3A_43 = arith.constant 4 : i32
    %broadcast_in_dim3A_44 = vector.broadcast %jit3A_43 : i32 to vector<256x512xi32>
    %select_n3A_45 = arith.select %gt3A_42, %broadcast_in_dim3A_44, %select_n3A_34 : vector<256x512xi1>, vector<256x512xi32>
    %select_n3A_46 = arith.select %gt3A_42, %get3A_41, %select_n3A_35 : vector<256x512xi1>, vector<256x512xf32>
    %get3A_47 = arith.constant 0 : index
    %get3A_48 = arith.constant 5 : index
    %get3A_49 = arith.constant 0 : index
    %get3A_50 = arith.constant 0 : index
    %get3A_51 = vector.load %arg2[%get3A_47, %get3A_48, %get3A_49, %get3A_50] : memref<1x19x256x512xf32, #tpu.memory_space<vmem>>, vector<1x1x256x512xf32>
    %get3A_52 = vector.shape_cast %get3A_51 : vector<1x1x256x512xf32> to vector<256x512xf32>
    %gt3A_53 = arith.cmpf ogt, %get3A_52, %select_n3A_46 : vector<256x512xf32>
    %jit3A_54 = arith.constant 5 : i32
    %broadcast_in_dim3A_55 = vector.broadcast %jit3A_54 : i32 to vector<256x512xi32>
    %select_n3A_56 = arith.select %gt3A_53, %broadcast_in_dim3A_55, %select_n3A_45 : vector<256x512xi1>, vector<256x512xi32>
    %select_n3A_57 = arith.select %gt3A_53, %get3A_52, %select_n3A_46 : vector<256x512xi1>, vector<256x512xf32>
    %get3A_58 = arith.constant 0 : index
    %get3A_59 = arith.constant 6 : index
    %get3A_60 = arith.constant 0 : index
    %get3A_61 = arith.constant 0 : index
    %get3A_62 = vector.load %arg2[%get3A_58, %get3A_59, %get3A_60, %get3A_61] : memref<1x19x256x512xf32, #tpu.memory_space<vmem>>, vector<1x1x256x512xf32>
    %get3A_63 = vector.shape_cast %get3A_62 : vector<1x1x256x512xf32> to vector<256x512xf32>
    %gt3A_64 = arith.cmpf ogt, %get3A_63, %select_n3A_57 : vector<256x512xf32>
    %jit3A_65 = arith.constant 6 : i32
    %broadcast_in_dim3A_66 = vector.broadcast %jit3A_65 : i32 to vector<256x512xi32>
    %select_n3A_67 = arith.select %gt3A_64, %broadcast_in_dim3A_66, %select_n3A_56 : vector<256x512xi1>, vector<256x512xi32>
    %select_n3A_68 = arith.select %gt3A_64, %get3A_63, %select_n3A_57 : vector<256x512xi1>, vector<256x512xf32>
    %get3A_69 = arith.constant 0 : index
    %get3A_70 = arith.constant 7 : index
    %get3A_71 = arith.constant 0 : index
    %get3A_72 = arith.constant 0 : index
    %get3A_73 = vector.load %arg2[%get3A_69, %get3A_70, %get3A_71, %get3A_72] : memref<1x19x256x512xf32, #tpu.memory_space<vmem>>, vector<1x1x256x512xf32>
    %get3A_74 = vector.shape_cast %get3A_73 : vector<1x1x256x512xf32> to vector<256x512xf32>
    %gt3A_75 = arith.cmpf ogt, %get3A_74, %select_n3A_68 : vector<256x512xf32>
    %jit3A_76 = arith.constant 7 : i32
    %broadcast_in_dim3A_77 = vector.broadcast %jit3A_76 : i32 to vector<256x512xi32>
    %select_n3A_78 = arith.select %gt3A_75, %broadcast_in_dim3A_77, %select_n3A_67 : vector<256x512xi1>, vector<256x512xi32>
    %select_n3A_79 = arith.select %gt3A_75, %get3A_74, %select_n3A_68 : vector<256x512xi1>, vector<256x512xf32>
    %get3A_80 = arith.constant 0 : index
    %get3A_81 = arith.constant 8 : index
    %get3A_82 = arith.constant 0 : index
    %get3A_83 = arith.constant 0 : index
    %get3A_84 = vector.load %arg2[%get3A_80, %get3A_81, %get3A_82, %get3A_83] : memref<1x19x256x512xf32, #tpu.memory_space<vmem>>, vector<1x1x256x512xf32>
    %get3A_85 = vector.shape_cast %get3A_84 : vector<1x1x256x512xf32> to vector<256x512xf32>
    %gt3A_86 = arith.cmpf ogt, %get3A_85, %select_n3A_79 : vector<256x512xf32>
    %jit3A_87 = arith.constant 8 : i32
    %broadcast_in_dim3A_88 = vector.broadcast %jit3A_87 : i32 to vector<256x512xi32>
    %select_n3A_89 = arith.select %gt3A_86, %broadcast_in_dim3A_88, %select_n3A_78 : vector<256x512xi1>, vector<256x512xi32>
    %select_n3A_90 = arith.select %gt3A_86, %get3A_85, %select_n3A_79 : vector<256x512xi1>, vector<256x512xf32>
    %get3A_91 = arith.constant 0 : index
    %get3A_92 = arith.constant 9 : index
    %get3A_93 = arith.constant 0 : index
    %get3A_94 = arith.constant 0 : index
    %get3A_95 = vector.load %arg2[%get3A_91, %get3A_92, %get3A_93, %get3A_94] : memref<1x19x256x512xf32, #tpu.memory_space<vmem>>, vector<1x1x256x512xf32>
    %get3A_96 = vector.shape_cast %get3A_95 : vector<1x1x256x512xf32> to vector<256x512xf32>
    %gt3A_97 = arith.cmpf ogt, %get3A_96, %select_n3A_90 : vector<256x512xf32>
    %jit3A_98 = arith.constant 9 : i32
    %broadcast_in_dim3A_99 = vector.broadcast %jit3A_98 : i32 to vector<256x512xi32>
    %select_n3A_100 = arith.select %gt3A_97, %broadcast_in_dim3A_99, %select_n3A_89 : vector<256x512xi1>, vector<256x512xi32>
    %select_n3A_101 = arith.select %gt3A_97, %get3A_96, %select_n3A_90 : vector<256x512xi1>, vector<256x512xf32>
    %get3A_102 = arith.constant 0 : index
    %get3A_103 = arith.constant 10 : index
    %get3A_104 = arith.constant 0 : index
    %get3A_105 = arith.constant 0 : index
    %get3A_106 = vector.load %arg2[%get3A_102, %get3A_103, %get3A_104, %get3A_105] : memref<1x19x256x512xf32, #tpu.memory_space<vmem>>, vector<1x1x256x512xf32>
    %get3A_107 = vector.shape_cast %get3A_106 : vector<1x1x256x512xf32> to vector<256x512xf32>
    %gt3A_108 = arith.cmpf ogt, %get3A_107, %select_n3A_101 : vector<256x512xf32>
    %jit3A_109 = arith.constant 10 : i32
    %broadcast_in_dim3A_110 = vector.broadcast %jit3A_109 : i32 to vector<256x512xi32>
    %select_n3A_111 = arith.select %gt3A_108, %broadcast_in_dim3A_110, %select_n3A_100 : vector<256x512xi1>, vector<256x512xi32>
    %select_n3A_112 = arith.select %gt3A_108, %get3A_107, %select_n3A_101 : vector<256x512xi1>, vector<256x512xf32>
    %get3A_113 = arith.constant 0 : index
    %get3A_114 = arith.constant 11 : index
    %get3A_115 = arith.constant 0 : index
    %get3A_116 = arith.constant 0 : index
    %get3A_117 = vector.load %arg2[%get3A_113, %get3A_114, %get3A_115, %get3A_116] : memref<1x19x256x512xf32, #tpu.memory_space<vmem>>, vector<1x1x256x512xf32>
    %get3A_118 = vector.shape_cast %get3A_117 : vector<1x1x256x512xf32> to vector<256x512xf32>
    %gt3A_119 = arith.cmpf ogt, %get3A_118, %select_n3A_112 : vector<256x512xf32>
    %jit3A_120 = arith.constant 11 : i32
    %broadcast_in_dim3A_121 = vector.broadcast %jit3A_120 : i32 to vector<256x512xi32>
    %select_n3A_122 = arith.select %gt3A_119, %broadcast_in_dim3A_121, %select_n3A_111 : vector<256x512xi1>, vector<256x512xi32>
    %select_n3A_123 = arith.select %gt3A_119, %get3A_118, %select_n3A_112 : vector<256x512xi1>, vector<256x512xf32>
    %get3A_124 = arith.constant 0 : index
    %get3A_125 = arith.constant 12 : index
    %get3A_126 = arith.constant 0 : index
    %get3A_127 = arith.constant 0 : index
    %get3A_128 = vector.load %arg2[%get3A_124, %get3A_125, %get3A_126, %get3A_127] : memref<1x19x256x512xf32, #tpu.memory_space<vmem>>, vector<1x1x256x512xf32>
    %get3A_129 = vector.shape_cast %get3A_128 : vector<1x1x256x512xf32> to vector<256x512xf32>
    %gt3A_130 = arith.cmpf ogt, %get3A_129, %select_n3A_123 : vector<256x512xf32>
    %jit3A_131 = arith.constant 12 : i32
    %broadcast_in_dim3A_132 = vector.broadcast %jit3A_131 : i32 to vector<256x512xi32>
    %select_n3A_133 = arith.select %gt3A_130, %broadcast_in_dim3A_132, %select_n3A_122 : vector<256x512xi1>, vector<256x512xi32>
    %select_n3A_134 = arith.select %gt3A_130, %get3A_129, %select_n3A_123 : vector<256x512xi1>, vector<256x512xf32>
    %get3A_135 = arith.constant 0 : index
    %get3A_136 = arith.constant 13 : index
    %get3A_137 = arith.constant 0 : index
    %get3A_138 = arith.constant 0 : index
    %get3A_139 = vector.load %arg2[%get3A_135, %get3A_136, %get3A_137, %get3A_138] : memref<1x19x256x512xf32, #tpu.memory_space<vmem>>, vector<1x1x256x512xf32>
    %get3A_140 = vector.shape_cast %get3A_139 : vector<1x1x256x512xf32> to vector<256x512xf32>
    %gt3A_141 = arith.cmpf ogt, %get3A_140, %select_n3A_134 : vector<256x512xf32>
    %jit3A_142 = arith.constant 13 : i32
    %broadcast_in_dim3A_143 = vector.broadcast %jit3A_142 : i32 to vector<256x512xi32>
    %select_n3A_144 = arith.select %gt3A_141, %broadcast_in_dim3A_143, %select_n3A_133 : vector<256x512xi1>, vector<256x512xi32>
    %select_n3A_145 = arith.select %gt3A_141, %get3A_140, %select_n3A_134 : vector<256x512xi1>, vector<256x512xf32>
    %get3A_146 = arith.constant 0 : index
    %get3A_147 = arith.constant 14 : index
    %get3A_148 = arith.constant 0 : index
    %get3A_149 = arith.constant 0 : index
    %get3A_150 = vector.load %arg2[%get3A_146, %get3A_147, %get3A_148, %get3A_149] : memref<1x19x256x512xf32, #tpu.memory_space<vmem>>, vector<1x1x256x512xf32>
    %get3A_151 = vector.shape_cast %get3A_150 : vector<1x1x256x512xf32> to vector<256x512xf32>
    %gt3A_152 = arith.cmpf ogt, %get3A_151, %select_n3A_145 : vector<256x512xf32>
    %jit3A_153 = arith.constant 14 : i32
    %broadcast_in_dim3A_154 = vector.broadcast %jit3A_153 : i32 to vector<256x512xi32>
    %select_n3A_155 = arith.select %gt3A_152, %broadcast_in_dim3A_154, %select_n3A_144 : vector<256x512xi1>, vector<256x512xi32>
    %select_n3A_156 = arith.select %gt3A_152, %get3A_151, %select_n3A_145 : vector<256x512xi1>, vector<256x512xf32>
    %get3A_157 = arith.constant 0 : index
    %get3A_158 = arith.constant 15 : index
    %get3A_159 = arith.constant 0 : index
    %get3A_160 = arith.constant 0 : index
    %get3A_161 = vector.load %arg2[%get3A_157, %get3A_158, %get3A_159, %get3A_160] : memref<1x19x256x512xf32, #tpu.memory_space<vmem>>, vector<1x1x256x512xf32>
    %get3A_162 = vector.shape_cast %get3A_161 : vector<1x1x256x512xf32> to vector<256x512xf32>
    %gt3A_163 = arith.cmpf ogt, %get3A_162, %select_n3A_156 : vector<256x512xf32>
    %jit3A_164 = arith.constant 15 : i32
    %broadcast_in_dim3A_165 = vector.broadcast %jit3A_164 : i32 to vector<256x512xi32>
    %select_n3A_166 = arith.select %gt3A_163, %broadcast_in_dim3A_165, %select_n3A_155 : vector<256x512xi1>, vector<256x512xi32>
    %select_n3A_167 = arith.select %gt3A_163, %get3A_162, %select_n3A_156 : vector<256x512xi1>, vector<256x512xf32>
    %get3A_168 = arith.constant 0 : index
    %get3A_169 = arith.constant 16 : index
    %get3A_170 = arith.constant 0 : index
    %get3A_171 = arith.constant 0 : index
    %get3A_172 = vector.load %arg2[%get3A_168, %get3A_169, %get3A_170, %get3A_171] : memref<1x19x256x512xf32, #tpu.memory_space<vmem>>, vector<1x1x256x512xf32>
    %get3A_173 = vector.shape_cast %get3A_172 : vector<1x1x256x512xf32> to vector<256x512xf32>
    %gt3A_174 = arith.cmpf ogt, %get3A_173, %select_n3A_167 : vector<256x512xf32>
    %jit3A_175 = arith.constant 16 : i32
    %broadcast_in_dim3A_176 = vector.broadcast %jit3A_175 : i32 to vector<256x512xi32>
    %select_n3A_177 = arith.select %gt3A_174, %broadcast_in_dim3A_176, %select_n3A_166 : vector<256x512xi1>, vector<256x512xi32>
    %select_n3A_178 = arith.select %gt3A_174, %get3A_173, %select_n3A_167 : vector<256x512xi1>, vector<256x512xf32>
    %get3A_179 = arith.constant 0 : index
    %get3A_180 = arith.constant 17 : index
    %get3A_181 = arith.constant 0 : index
    %get3A_182 = arith.constant 0 : index
    %get3A_183 = vector.load %arg2[%get3A_179, %get3A_180, %get3A_181, %get3A_182] : memref<1x19x256x512xf32, #tpu.memory_space<vmem>>, vector<1x1x256x512xf32>
    %get3A_184 = vector.shape_cast %get3A_183 : vector<1x1x256x512xf32> to vector<256x512xf32>
    %gt3A_185 = arith.cmpf ogt, %get3A_184, %select_n3A_178 : vector<256x512xf32>
    %jit3A_186 = arith.constant 17 : i32
    %broadcast_in_dim3A_187 = vector.broadcast %jit3A_186 : i32 to vector<256x512xi32>
    %select_n3A_188 = arith.select %gt3A_185, %broadcast_in_dim3A_187, %select_n3A_177 : vector<256x512xi1>, vector<256x512xi32>
    %select_n3A_189 = arith.select %gt3A_185, %get3A_184, %select_n3A_178 : vector<256x512xi1>, vector<256x512xf32>
    %get3A_190 = arith.constant 0 : index
    %get3A_191 = arith.constant 18 : index
    %get3A_192 = arith.constant 0 : index
    %get3A_193 = arith.constant 0 : index
    %get3A_194 = vector.load %arg2[%get3A_190, %get3A_191, %get3A_192, %get3A_193] : memref<1x19x256x512xf32, #tpu.memory_space<vmem>>, vector<1x1x256x512xf32>
    %get3A_195 = vector.shape_cast %get3A_194 : vector<1x1x256x512xf32> to vector<256x512xf32>
    %gt3A_196 = arith.cmpf ogt, %get3A_195, %select_n3A_189 : vector<256x512xf32>
    %jit3A_197 = arith.constant 18 : i32
    %broadcast_in_dim3A_198 = vector.broadcast %jit3A_197 : i32 to vector<256x512xi32>
    %select_n3A_199 = arith.select %gt3A_196, %broadcast_in_dim3A_198, %select_n3A_188 : vector<256x512xi1>, vector<256x512xi32>
    %select_n3A_200 = arith.select %gt3A_196, %get3A_195, %select_n3A_189 : vector<256x512xi1>, vector<256x512xf32>
    %broadcast_in_dim3A_201 = arith.constant 0.000000e+00 : f32
    %broadcast_in_dim3A_202 = vector.broadcast %broadcast_in_dim3A_201 : f32 to vector<256x512xf32>
    %get3A_203 = arith.constant 0 : index
    %get3A_204 = arith.constant 0 : index
    %get3A_205 = arith.constant 0 : index
    %get3A_206 = arith.constant 0 : index
    %get3A_207 = vector.load %arg2[%get3A_203, %get3A_204, %get3A_205, %get3A_206] : memref<1x19x256x512xf32, #tpu.memory_space<vmem>>, vector<1x1x256x512xf32>
    %get3A_208 = vector.shape_cast %get3A_207 : vector<1x1x256x512xf32> to vector<256x512xf32>
    %sub3A = arith.subf %get3A_208, %select_n3A_200 : vector<256x512xf32>
    %exp3A = math.exp %sub3A : vector<256x512xf32>
    %add3A = arith.addf %broadcast_in_dim3A_202, %exp3A : vector<256x512xf32>
    %get3A_209 = arith.constant 0 : index
    %get3A_210 = arith.constant 1 : index
    %get3A_211 = arith.constant 0 : index
    %get3A_212 = arith.constant 0 : index
    %get3A_213 = vector.load %arg2[%get3A_209, %get3A_210, %get3A_211, %get3A_212] : memref<1x19x256x512xf32, #tpu.memory_space<vmem>>, vector<1x1x256x512xf32>
    %get3A_214 = vector.shape_cast %get3A_213 : vector<1x1x256x512xf32> to vector<256x512xf32>
    %sub3A_215 = arith.subf %get3A_214, %select_n3A_200 : vector<256x512xf32>
    %exp3A_216 = math.exp %sub3A_215 : vector<256x512xf32>
    %add3A_217 = arith.addf %add3A, %exp3A_216 : vector<256x512xf32>
    %get3A_218 = arith.constant 0 : index
    %get3A_219 = arith.constant 2 : index
    %get3A_220 = arith.constant 0 : index
    %get3A_221 = arith.constant 0 : index
    %get3A_222 = vector.load %arg2[%get3A_218, %get3A_219, %get3A_220, %get3A_221] : memref<1x19x256x512xf32, #tpu.memory_space<vmem>>, vector<1x1x256x512xf32>
    %get3A_223 = vector.shape_cast %get3A_222 : vector<1x1x256x512xf32> to vector<256x512xf32>
    %sub3A_224 = arith.subf %get3A_223, %select_n3A_200 : vector<256x512xf32>
    %exp3A_225 = math.exp %sub3A_224 : vector<256x512xf32>
    %add3A_226 = arith.addf %add3A_217, %exp3A_225 : vector<256x512xf32>
    %get3A_227 = arith.constant 0 : index
    %get3A_228 = arith.constant 3 : index
    %get3A_229 = arith.constant 0 : index
    %get3A_230 = arith.constant 0 : index
    %get3A_231 = vector.load %arg2[%get3A_227, %get3A_228, %get3A_229, %get3A_230] : memref<1x19x256x512xf32, #tpu.memory_space<vmem>>, vector<1x1x256x512xf32>
    %get3A_232 = vector.shape_cast %get3A_231 : vector<1x1x256x512xf32> to vector<256x512xf32>
    %sub3A_233 = arith.subf %get3A_232, %select_n3A_200 : vector<256x512xf32>
    %exp3A_234 = math.exp %sub3A_233 : vector<256x512xf32>
    %add3A_235 = arith.addf %add3A_226, %exp3A_234 : vector<256x512xf32>
    %get3A_236 = arith.constant 0 : index
    %get3A_237 = arith.constant 4 : index
    %get3A_238 = arith.constant 0 : index
    %get3A_239 = arith.constant 0 : index
    %get3A_240 = vector.load %arg2[%get3A_236, %get3A_237, %get3A_238, %get3A_239] : memref<1x19x256x512xf32, #tpu.memory_space<vmem>>, vector<1x1x256x512xf32>
    %get3A_241 = vector.shape_cast %get3A_240 : vector<1x1x256x512xf32> to vector<256x512xf32>
    %sub3A_242 = arith.subf %get3A_241, %select_n3A_200 : vector<256x512xf32>
    %exp3A_243 = math.exp %sub3A_242 : vector<256x512xf32>
    %add3A_244 = arith.addf %add3A_235, %exp3A_243 : vector<256x512xf32>
    %get3A_245 = arith.constant 0 : index
    %get3A_246 = arith.constant 5 : index
    %get3A_247 = arith.constant 0 : index
    %get3A_248 = arith.constant 0 : index
    %get3A_249 = vector.load %arg2[%get3A_245, %get3A_246, %get3A_247, %get3A_248] : memref<1x19x256x512xf32, #tpu.memory_space<vmem>>, vector<1x1x256x512xf32>
    %get3A_250 = vector.shape_cast %get3A_249 : vector<1x1x256x512xf32> to vector<256x512xf32>
    %sub3A_251 = arith.subf %get3A_250, %select_n3A_200 : vector<256x512xf32>
    %exp3A_252 = math.exp %sub3A_251 : vector<256x512xf32>
    %add3A_253 = arith.addf %add3A_244, %exp3A_252 : vector<256x512xf32>
    %get3A_254 = arith.constant 0 : index
    %get3A_255 = arith.constant 6 : index
    %get3A_256 = arith.constant 0 : index
    %get3A_257 = arith.constant 0 : index
    %get3A_258 = vector.load %arg2[%get3A_254, %get3A_255, %get3A_256, %get3A_257] : memref<1x19x256x512xf32, #tpu.memory_space<vmem>>, vector<1x1x256x512xf32>
    %get3A_259 = vector.shape_cast %get3A_258 : vector<1x1x256x512xf32> to vector<256x512xf32>
    %sub3A_260 = arith.subf %get3A_259, %select_n3A_200 : vector<256x512xf32>
    %exp3A_261 = math.exp %sub3A_260 : vector<256x512xf32>
    %add3A_262 = arith.addf %add3A_253, %exp3A_261 : vector<256x512xf32>
    %get3A_263 = arith.constant 0 : index
    %get3A_264 = arith.constant 7 : index
    %get3A_265 = arith.constant 0 : index
    %get3A_266 = arith.constant 0 : index
    %get3A_267 = vector.load %arg2[%get3A_263, %get3A_264, %get3A_265, %get3A_266] : memref<1x19x256x512xf32, #tpu.memory_space<vmem>>, vector<1x1x256x512xf32>
    %get3A_268 = vector.shape_cast %get3A_267 : vector<1x1x256x512xf32> to vector<256x512xf32>
    %sub3A_269 = arith.subf %get3A_268, %select_n3A_200 : vector<256x512xf32>
    %exp3A_270 = math.exp %sub3A_269 : vector<256x512xf32>
    %add3A_271 = arith.addf %add3A_262, %exp3A_270 : vector<256x512xf32>
    %get3A_272 = arith.constant 0 : index
    %get3A_273 = arith.constant 8 : index
    %get3A_274 = arith.constant 0 : index
    %get3A_275 = arith.constant 0 : index
    %get3A_276 = vector.load %arg2[%get3A_272, %get3A_273, %get3A_274, %get3A_275] : memref<1x19x256x512xf32, #tpu.memory_space<vmem>>, vector<1x1x256x512xf32>
    %get3A_277 = vector.shape_cast %get3A_276 : vector<1x1x256x512xf32> to vector<256x512xf32>
    %sub3A_278 = arith.subf %get3A_277, %select_n3A_200 : vector<256x512xf32>
    %exp3A_279 = math.exp %sub3A_278 : vector<256x512xf32>
    %add3A_280 = arith.addf %add3A_271, %exp3A_279 : vector<256x512xf32>
    %get3A_281 = arith.constant 0 : index
    %get3A_282 = arith.constant 9 : index
    %get3A_283 = arith.constant 0 : index
    %get3A_284 = arith.constant 0 : index
    %get3A_285 = vector.load %arg2[%get3A_281, %get3A_282, %get3A_283, %get3A_284] : memref<1x19x256x512xf32, #tpu.memory_space<vmem>>, vector<1x1x256x512xf32>
    %get3A_286 = vector.shape_cast %get3A_285 : vector<1x1x256x512xf32> to vector<256x512xf32>
    %sub3A_287 = arith.subf %get3A_286, %select_n3A_200 : vector<256x512xf32>
    %exp3A_288 = math.exp %sub3A_287 : vector<256x512xf32>
    %add3A_289 = arith.addf %add3A_280, %exp3A_288 : vector<256x512xf32>
    %get3A_290 = arith.constant 0 : index
    %get3A_291 = arith.constant 10 : index
    %get3A_292 = arith.constant 0 : index
    %get3A_293 = arith.constant 0 : index
    %get3A_294 = vector.load %arg2[%get3A_290, %get3A_291, %get3A_292, %get3A_293] : memref<1x19x256x512xf32, #tpu.memory_space<vmem>>, vector<1x1x256x512xf32>
    %get3A_295 = vector.shape_cast %get3A_294 : vector<1x1x256x512xf32> to vector<256x512xf32>
    %sub3A_296 = arith.subf %get3A_295, %select_n3A_200 : vector<256x512xf32>
    %exp3A_297 = math.exp %sub3A_296 : vector<256x512xf32>
    %add3A_298 = arith.addf %add3A_289, %exp3A_297 : vector<256x512xf32>
    %get3A_299 = arith.constant 0 : index
    %get3A_300 = arith.constant 11 : index
    %get3A_301 = arith.constant 0 : index
    %get3A_302 = arith.constant 0 : index
    %get3A_303 = vector.load %arg2[%get3A_299, %get3A_300, %get3A_301, %get3A_302] : memref<1x19x256x512xf32, #tpu.memory_space<vmem>>, vector<1x1x256x512xf32>
    %get3A_304 = vector.shape_cast %get3A_303 : vector<1x1x256x512xf32> to vector<256x512xf32>
    %sub3A_305 = arith.subf %get3A_304, %select_n3A_200 : vector<256x512xf32>
    %exp3A_306 = math.exp %sub3A_305 : vector<256x512xf32>
    %add3A_307 = arith.addf %add3A_298, %exp3A_306 : vector<256x512xf32>
    %get3A_308 = arith.constant 0 : index
    %get3A_309 = arith.constant 12 : index
    %get3A_310 = arith.constant 0 : index
    %get3A_311 = arith.constant 0 : index
    %get3A_312 = vector.load %arg2[%get3A_308, %get3A_309, %get3A_310, %get3A_311] : memref<1x19x256x512xf32, #tpu.memory_space<vmem>>, vector<1x1x256x512xf32>
    %get3A_313 = vector.shape_cast %get3A_312 : vector<1x1x256x512xf32> to vector<256x512xf32>
    %sub3A_314 = arith.subf %get3A_313, %select_n3A_200 : vector<256x512xf32>
    %exp3A_315 = math.exp %sub3A_314 : vector<256x512xf32>
    %add3A_316 = arith.addf %add3A_307, %exp3A_315 : vector<256x512xf32>
    %get3A_317 = arith.constant 0 : index
    %get3A_318 = arith.constant 13 : index
    %get3A_319 = arith.constant 0 : index
    %get3A_320 = arith.constant 0 : index
    %get3A_321 = vector.load %arg2[%get3A_317, %get3A_318, %get3A_319, %get3A_320] : memref<1x19x256x512xf32, #tpu.memory_space<vmem>>, vector<1x1x256x512xf32>
    %get3A_322 = vector.shape_cast %get3A_321 : vector<1x1x256x512xf32> to vector<256x512xf32>
    %sub3A_323 = arith.subf %get3A_322, %select_n3A_200 : vector<256x512xf32>
    %exp3A_324 = math.exp %sub3A_323 : vector<256x512xf32>
    %add3A_325 = arith.addf %add3A_316, %exp3A_324 : vector<256x512xf32>
    %get3A_326 = arith.constant 0 : index
    %get3A_327 = arith.constant 14 : index
    %get3A_328 = arith.constant 0 : index
    %get3A_329 = arith.constant 0 : index
    %get3A_330 = vector.load %arg2[%get3A_326, %get3A_327, %get3A_328, %get3A_329] : memref<1x19x256x512xf32, #tpu.memory_space<vmem>>, vector<1x1x256x512xf32>
    %get3A_331 = vector.shape_cast %get3A_330 : vector<1x1x256x512xf32> to vector<256x512xf32>
    %sub3A_332 = arith.subf %get3A_331, %select_n3A_200 : vector<256x512xf32>
    %exp3A_333 = math.exp %sub3A_332 : vector<256x512xf32>
    %add3A_334 = arith.addf %add3A_325, %exp3A_333 : vector<256x512xf32>
    %get3A_335 = arith.constant 0 : index
    %get3A_336 = arith.constant 15 : index
    %get3A_337 = arith.constant 0 : index
    %get3A_338 = arith.constant 0 : index
    %get3A_339 = vector.load %arg2[%get3A_335, %get3A_336, %get3A_337, %get3A_338] : memref<1x19x256x512xf32, #tpu.memory_space<vmem>>, vector<1x1x256x512xf32>
    %get3A_340 = vector.shape_cast %get3A_339 : vector<1x1x256x512xf32> to vector<256x512xf32>
    %sub3A_341 = arith.subf %get3A_340, %select_n3A_200 : vector<256x512xf32>
    %exp3A_342 = math.exp %sub3A_341 : vector<256x512xf32>
    %add3A_343 = arith.addf %add3A_334, %exp3A_342 : vector<256x512xf32>
    %get3A_344 = arith.constant 0 : index
    %get3A_345 = arith.constant 16 : index
    %get3A_346 = arith.constant 0 : index
    %get3A_347 = arith.constant 0 : index
    %get3A_348 = vector.load %arg2[%get3A_344, %get3A_345, %get3A_346, %get3A_347] : memref<1x19x256x512xf32, #tpu.memory_space<vmem>>, vector<1x1x256x512xf32>
    %get3A_349 = vector.shape_cast %get3A_348 : vector<1x1x256x512xf32> to vector<256x512xf32>
    %sub3A_350 = arith.subf %get3A_349, %select_n3A_200 : vector<256x512xf32>
    %exp3A_351 = math.exp %sub3A_350 : vector<256x512xf32>
    %add3A_352 = arith.addf %add3A_343, %exp3A_351 : vector<256x512xf32>
    %get3A_353 = arith.constant 0 : index
    %get3A_354 = arith.constant 17 : index
    %get3A_355 = arith.constant 0 : index
    %get3A_356 = arith.constant 0 : index
    %get3A_357 = vector.load %arg2[%get3A_353, %get3A_354, %get3A_355, %get3A_356] : memref<1x19x256x512xf32, #tpu.memory_space<vmem>>, vector<1x1x256x512xf32>
    %get3A_358 = vector.shape_cast %get3A_357 : vector<1x1x256x512xf32> to vector<256x512xf32>
    %sub3A_359 = arith.subf %get3A_358, %select_n3A_200 : vector<256x512xf32>
    %exp3A_360 = math.exp %sub3A_359 : vector<256x512xf32>
    %add3A_361 = arith.addf %add3A_352, %exp3A_360 : vector<256x512xf32>
    %get3A_362 = arith.constant 0 : index
    %get3A_363 = arith.constant 18 : index
    %get3A_364 = arith.constant 0 : index
    %get3A_365 = arith.constant 0 : index
    %get3A_366 = vector.load %arg2[%get3A_362, %get3A_363, %get3A_364, %get3A_365] : memref<1x19x256x512xf32, #tpu.memory_space<vmem>>, vector<1x1x256x512xf32>
    %get3A_367 = vector.shape_cast %get3A_366 : vector<1x1x256x512xf32> to vector<256x512xf32>
    %sub3A_368 = arith.subf %get3A_367, %select_n3A_200 : vector<256x512xf32>
    %exp3A_369 = math.exp %sub3A_368 : vector<256x512xf32>
    %add3A_370 = arith.addf %add3A_361, %exp3A_369 : vector<256x512xf32>
    %log3A = math.log %add3A_370 : vector<256x512xf32>
    %bitcast_convert_type3A = tpu.bitcast %log3A : vector<256x512xf32> -> vector<256x512xi32>
    %and3A = arith.constant -32 : i32
    %and3A_371 = vector.broadcast %and3A : i32 to vector<256x512xi32>
    %and3A_372 = arith.andi %bitcast_convert_type3A, %and3A_371 : vector<256x512xi32>
    %or3A = arith.ori %and3A_372, %select_n3A_199 : vector<256x512xi32>
    %slice3A = vector.extract_strided_slice %or3A {offsets = [0, 0], sizes = [64, 512], strides = [1, 1]} : vector<256x512xi32> to vector<64x512xi32>
    %swap3A = arith.constant 0 : index
    %swap3A_373 = arith.constant 0 : index
    %swap3A_374 = arith.constant 0 : index
    %swap3A_375 = vector.load %arg3[%swap3A, %swap3A_373, %swap3A_374] : memref<4x64x512xi32, #tpu.memory_space<vmem>>, vector<1x64x512xi32>
    %swap3A_376 = vector.shape_cast %swap3A_375 : vector<1x64x512xi32> to vector<64x512xi32>
    %swap3A_377 = vector.shape_cast %slice3A : vector<64x512xi32> to vector<1x64x512xi32>
    tpu.vector_store %arg3[%swap3A, %swap3A_373, %swap3A_374], %swap3A_377 {strides = array<i32>} : memref<4x64x512xi32, #tpu.memory_space<vmem>>, vector<1x64x512xi32>,
    %slice3A_378 = vector.extract_strided_slice %or3A {offsets = [64, 0], sizes = [64, 512], strides = [1, 1]} : vector<256x512xi32> to vector<64x512xi32>
    %swap3A_379 = arith.constant 1 : index
    %swap3A_380 = arith.constant 0 : index
    %swap3A_381 = arith.constant 0 : index
    %swap3A_382 = vector.load %arg3[%swap3A_379, %swap3A_380, %swap3A_381] : memref<4x64x512xi32, #tpu.memory_space<vmem>>, vector<1x64x512xi32>
    %swap3A_383 = vector.shape_cast %swap3A_382 : vector<1x64x512xi32> to vector<64x512xi32>
    %swap3A_384 = vector.shape_cast %slice3A_378 : vector<64x512xi32> to vector<1x64x512xi32>
    tpu.vector_store %arg3[%swap3A_379, %swap3A_380, %swap3A_381], %swap3A_384 {strides = array<i32>} : memref<4x64x512xi32, #tpu.memory_space<vmem>>, vector<1x64x512xi32>,
    %slice3A_385 = vector.extract_strided_slice %or3A {offsets = [128, 0], sizes = [64, 512], strides = [1, 1]} : vector<256x512xi32> to vector<64x512xi32>
    %swap3A_386 = arith.constant 2 : index
    %swap3A_387 = arith.constant 0 : index
    %swap3A_388 = arith.constant 0 : index
    %swap3A_389 = vector.load %arg3[%swap3A_386, %swap3A_387, %swap3A_388] : memref<4x64x512xi32, #tpu.memory_space<vmem>>, vector<1x64x512xi32>
    %swap3A_390 = vector.shape_cast %swap3A_389 : vector<1x64x512xi32> to vector<64x512xi32>
    %swap3A_391 = vector.shape_cast %slice3A_385 : vector<64x512xi32> to vector<1x64x512xi32>
    tpu.vector_store %arg3[%swap3A_386, %swap3A_387, %swap3A_388], %swap3A_391 {strides = array<i32>} : memref<4x64x512xi32, #tpu.memory_space<vmem>>, vector<1x64x512xi32>,
    %slice3A_392 = vector.extract_strided_slice %or3A {offsets = [192, 0], sizes = [64, 512], strides = [1, 1]} : vector<256x512xi32> to vector<64x512xi32>
    %swap3A_393 = arith.constant 3 : index
    %swap3A_394 = arith.constant 0 : index
    %swap3A_395 = arith.constant 0 : index
    %swap3A_396 = vector.load %arg3[%swap3A_393, %swap3A_394, %swap3A_395] : memref<4x64x512xi32, #tpu.memory_space<vmem>>, vector<1x64x512xi32>
    %swap3A_397 = vector.shape_cast %swap3A_396 : vector<1x64x512xi32> to vector<64x512xi32>
    %swap3A_398 = vector.shape_cast %slice3A_392 : vector<64x512xi32> to vector<1x64x512xi32>
    tpu.vector_store %arg3[%swap3A_393, %swap3A_394, %swap3A_395], %swap3A_398 {strides = array<i32>} : memref<4x64x512xi32, #tpu.memory_space<vmem>>, vector<1x64x512xi32>,
    return
  }
  func.func @transform_0(%arg0: i32, %arg1: i32) -> (i32, i32, i32, i32) {
    %c0_i32 = arith.constant 0 : i32
    %c0_i32_0 = arith.constant 0 : i32
    %c0_i32_1 = arith.constant 0 : i32
    return %arg0, %c0_i32, %arg1, %c0_i32_0 : i32, i32, i32, i32
  }
  func.func @transform_1(%arg0: i32, %arg1: i32) -> (i32, i32, i32) {
    %mul3A = arith.constant 2 : i32
    %mul3A_0 = arith.muli %arg0, %mul3A : i32
    %add3A = arith.addi %mul3A_0, %arg1 : i32
    %c0_i32 = arith.constant 0 : i32
    %c0_i32_1 = arith.constant 0 : i32
    %c0_i32_2 = arith.constant 0 : i32
    return %add3A, %c0_i32, %c0_i32_1 : i32, i32, i32
  }
}

module attributes {stable_mosaic.version = 14 : i64} {
  func.func @_finalize_body(%arg0: memref<32x19x1024xf32, #tpu.memory_space<vmem>>, %arg1: memref<1x1xf32, #tpu.memory_space<vmem>>) attributes {dimension_semantics = [], scalar_prefetch = 0 : i64, scratch_operands = 0 : i64, tpu.core_type = #tpu.core_type<tc>} {
    %get3A = arith.constant 0 : index
    %get3A_0 = arith.constant 0 : index
    %get3A_1 = arith.constant 0 : index
    %get3A_2 = vector.load %arg0[%get3A, %get3A_0, %get3A_1] : memref<32x19x1024xf32, #tpu.memory_space<vmem>>, vector<32x19x1024xf32>
    %slice3A = vector.extract_strided_slice %get3A_2 {offsets = [0, 0, 0], sizes = [1, 19, 1024], strides = [1, 1, 1]} : vector<32x19x1024xf32> to vector<1x19x1024xf32>
    %squeeze3A = vector.shape_cast %slice3A : vector<1x19x1024xf32> to vector<19x1024xf32>
    %slice3A_3 = vector.extract_strided_slice %get3A_2 {offsets = [1, 0, 0], sizes = [1, 19, 1024], strides = [1, 1, 1]} : vector<32x19x1024xf32> to vector<1x19x1024xf32>
    %squeeze3A_4 = vector.shape_cast %slice3A_3 : vector<1x19x1024xf32> to vector<19x1024xf32>
    %add3A = arith.addf %squeeze3A, %squeeze3A_4 : vector<19x1024xf32>
    %slice3A_5 = vector.extract_strided_slice %get3A_2 {offsets = [2, 0, 0], sizes = [1, 19, 1024], strides = [1, 1, 1]} : vector<32x19x1024xf32> to vector<1x19x1024xf32>
    %squeeze3A_6 = vector.shape_cast %slice3A_5 : vector<1x19x1024xf32> to vector<19x1024xf32>
    %add3A_7 = arith.addf %add3A, %squeeze3A_6 : vector<19x1024xf32>
    %slice3A_8 = vector.extract_strided_slice %get3A_2 {offsets = [3, 0, 0], sizes = [1, 19, 1024], strides = [1, 1, 1]} : vector<32x19x1024xf32> to vector<1x19x1024xf32>
    %squeeze3A_9 = vector.shape_cast %slice3A_8 : vector<1x19x1024xf32> to vector<19x1024xf32>
    %add3A_10 = arith.addf %add3A_7, %squeeze3A_9 : vector<19x1024xf32>
    %slice3A_11 = vector.extract_strided_slice %get3A_2 {offsets = [4, 0, 0], sizes = [1, 19, 1024], strides = [1, 1, 1]} : vector<32x19x1024xf32> to vector<1x19x1024xf32>
    %squeeze3A_12 = vector.shape_cast %slice3A_11 : vector<1x19x1024xf32> to vector<19x1024xf32>
    %add3A_13 = arith.addf %add3A_10, %squeeze3A_12 : vector<19x1024xf32>
    %slice3A_14 = vector.extract_strided_slice %get3A_2 {offsets = [5, 0, 0], sizes = [1, 19, 1024], strides = [1, 1, 1]} : vector<32x19x1024xf32> to vector<1x19x1024xf32>
    %squeeze3A_15 = vector.shape_cast %slice3A_14 : vector<1x19x1024xf32> to vector<19x1024xf32>
    %add3A_16 = arith.addf %add3A_13, %squeeze3A_15 : vector<19x1024xf32>
    %slice3A_17 = vector.extract_strided_slice %get3A_2 {offsets = [6, 0, 0], sizes = [1, 19, 1024], strides = [1, 1, 1]} : vector<32x19x1024xf32> to vector<1x19x1024xf32>
    %squeeze3A_18 = vector.shape_cast %slice3A_17 : vector<1x19x1024xf32> to vector<19x1024xf32>
    %add3A_19 = arith.addf %add3A_16, %squeeze3A_18 : vector<19x1024xf32>
    %slice3A_20 = vector.extract_strided_slice %get3A_2 {offsets = [7, 0, 0], sizes = [1, 19, 1024], strides = [1, 1, 1]} : vector<32x19x1024xf32> to vector<1x19x1024xf32>
    %squeeze3A_21 = vector.shape_cast %slice3A_20 : vector<1x19x1024xf32> to vector<19x1024xf32>
    %add3A_22 = arith.addf %add3A_19, %squeeze3A_21 : vector<19x1024xf32>
    %slice3A_23 = vector.extract_strided_slice %get3A_2 {offsets = [8, 0, 0], sizes = [1, 19, 1024], strides = [1, 1, 1]} : vector<32x19x1024xf32> to vector<1x19x1024xf32>
    %squeeze3A_24 = vector.shape_cast %slice3A_23 : vector<1x19x1024xf32> to vector<19x1024xf32>
    %slice3A_25 = vector.extract_strided_slice %get3A_2 {offsets = [9, 0, 0], sizes = [1, 19, 1024], strides = [1, 1, 1]} : vector<32x19x1024xf32> to vector<1x19x1024xf32>
    %squeeze3A_26 = vector.shape_cast %slice3A_25 : vector<1x19x1024xf32> to vector<19x1024xf32>
    %add3A_27 = arith.addf %squeeze3A_24, %squeeze3A_26 : vector<19x1024xf32>
    %slice3A_28 = vector.extract_strided_slice %get3A_2 {offsets = [10, 0, 0], sizes = [1, 19, 1024], strides = [1, 1, 1]} : vector<32x19x1024xf32> to vector<1x19x1024xf32>
    %squeeze3A_29 = vector.shape_cast %slice3A_28 : vector<1x19x1024xf32> to vector<19x1024xf32>
    %add3A_30 = arith.addf %add3A_27, %squeeze3A_29 : vector<19x1024xf32>
    %slice3A_31 = vector.extract_strided_slice %get3A_2 {offsets = [11, 0, 0], sizes = [1, 19, 1024], strides = [1, 1, 1]} : vector<32x19x1024xf32> to vector<1x19x1024xf32>
    %squeeze3A_32 = vector.shape_cast %slice3A_31 : vector<1x19x1024xf32> to vector<19x1024xf32>
    %add3A_33 = arith.addf %add3A_30, %squeeze3A_32 : vector<19x1024xf32>
    %slice3A_34 = vector.extract_strided_slice %get3A_2 {offsets = [12, 0, 0], sizes = [1, 19, 1024], strides = [1, 1, 1]} : vector<32x19x1024xf32> to vector<1x19x1024xf32>
    %squeeze3A_35 = vector.shape_cast %slice3A_34 : vector<1x19x1024xf32> to vector<19x1024xf32>
    %add3A_36 = arith.addf %add3A_33, %squeeze3A_35 : vector<19x1024xf32>
    %slice3A_37 = vector.extract_strided_slice %get3A_2 {offsets = [13, 0, 0], sizes = [1, 19, 1024], strides = [1, 1, 1]} : vector<32x19x1024xf32> to vector<1x19x1024xf32>
    %squeeze3A_38 = vector.shape_cast %slice3A_37 : vector<1x19x1024xf32> to vector<19x1024xf32>
    %add3A_39 = arith.addf %add3A_36, %squeeze3A_38 : vector<19x1024xf32>
    %slice3A_40 = vector.extract_strided_slice %get3A_2 {offsets = [14, 0, 0], sizes = [1, 19, 1024], strides = [1, 1, 1]} : vector<32x19x1024xf32> to vector<1x19x1024xf32>
    %squeeze3A_41 = vector.shape_cast %slice3A_40 : vector<1x19x1024xf32> to vector<19x1024xf32>
    %add3A_42 = arith.addf %add3A_39, %squeeze3A_41 : vector<19x1024xf32>
    %slice3A_43 = vector.extract_strided_slice %get3A_2 {offsets = [15, 0, 0], sizes = [1, 19, 1024], strides = [1, 1, 1]} : vector<32x19x1024xf32> to vector<1x19x1024xf32>
    %squeeze3A_44 = vector.shape_cast %slice3A_43 : vector<1x19x1024xf32> to vector<19x1024xf32>
    %add3A_45 = arith.addf %add3A_42, %squeeze3A_44 : vector<19x1024xf32>
    %slice3A_46 = vector.extract_strided_slice %get3A_2 {offsets = [16, 0, 0], sizes = [1, 19, 1024], strides = [1, 1, 1]} : vector<32x19x1024xf32> to vector<1x19x1024xf32>
    %squeeze3A_47 = vector.shape_cast %slice3A_46 : vector<1x19x1024xf32> to vector<19x1024xf32>
    %slice3A_48 = vector.extract_strided_slice %get3A_2 {offsets = [17, 0, 0], sizes = [1, 19, 1024], strides = [1, 1, 1]} : vector<32x19x1024xf32> to vector<1x19x1024xf32>
    %squeeze3A_49 = vector.shape_cast %slice3A_48 : vector<1x19x1024xf32> to vector<19x1024xf32>
    %add3A_50 = arith.addf %squeeze3A_47, %squeeze3A_49 : vector<19x1024xf32>
    %slice3A_51 = vector.extract_strided_slice %get3A_2 {offsets = [18, 0, 0], sizes = [1, 19, 1024], strides = [1, 1, 1]} : vector<32x19x1024xf32> to vector<1x19x1024xf32>
    %squeeze3A_52 = vector.shape_cast %slice3A_51 : vector<1x19x1024xf32> to vector<19x1024xf32>
    %add3A_53 = arith.addf %add3A_50, %squeeze3A_52 : vector<19x1024xf32>
    %slice3A_54 = vector.extract_strided_slice %get3A_2 {offsets = [19, 0, 0], sizes = [1, 19, 1024], strides = [1, 1, 1]} : vector<32x19x1024xf32> to vector<1x19x1024xf32>
    %squeeze3A_55 = vector.shape_cast %slice3A_54 : vector<1x19x1024xf32> to vector<19x1024xf32>
    %add3A_56 = arith.addf %add3A_53, %squeeze3A_55 : vector<19x1024xf32>
    %slice3A_57 = vector.extract_strided_slice %get3A_2 {offsets = [20, 0, 0], sizes = [1, 19, 1024], strides = [1, 1, 1]} : vector<32x19x1024xf32> to vector<1x19x1024xf32>
    %squeeze3A_58 = vector.shape_cast %slice3A_57 : vector<1x19x1024xf32> to vector<19x1024xf32>
    %add3A_59 = arith.addf %add3A_56, %squeeze3A_58 : vector<19x1024xf32>
    %slice3A_60 = vector.extract_strided_slice %get3A_2 {offsets = [21, 0, 0], sizes = [1, 19, 1024], strides = [1, 1, 1]} : vector<32x19x1024xf32> to vector<1x19x1024xf32>
    %squeeze3A_61 = vector.shape_cast %slice3A_60 : vector<1x19x1024xf32> to vector<19x1024xf32>
    %add3A_62 = arith.addf %add3A_59, %squeeze3A_61 : vector<19x1024xf32>
    %slice3A_63 = vector.extract_strided_slice %get3A_2 {offsets = [22, 0, 0], sizes = [1, 19, 1024], strides = [1, 1, 1]} : vector<32x19x1024xf32> to vector<1x19x1024xf32>
    %squeeze3A_64 = vector.shape_cast %slice3A_63 : vector<1x19x1024xf32> to vector<19x1024xf32>
    %add3A_65 = arith.addf %add3A_62, %squeeze3A_64 : vector<19x1024xf32>
    %slice3A_66 = vector.extract_strided_slice %get3A_2 {offsets = [23, 0, 0], sizes = [1, 19, 1024], strides = [1, 1, 1]} : vector<32x19x1024xf32> to vector<1x19x1024xf32>
    %squeeze3A_67 = vector.shape_cast %slice3A_66 : vector<1x19x1024xf32> to vector<19x1024xf32>
    %add3A_68 = arith.addf %add3A_65, %squeeze3A_67 : vector<19x1024xf32>
    %slice3A_69 = vector.extract_strided_slice %get3A_2 {offsets = [24, 0, 0], sizes = [1, 19, 1024], strides = [1, 1, 1]} : vector<32x19x1024xf32> to vector<1x19x1024xf32>
    %squeeze3A_70 = vector.shape_cast %slice3A_69 : vector<1x19x1024xf32> to vector<19x1024xf32>
    %slice3A_71 = vector.extract_strided_slice %get3A_2 {offsets = [25, 0, 0], sizes = [1, 19, 1024], strides = [1, 1, 1]} : vector<32x19x1024xf32> to vector<1x19x1024xf32>
    %squeeze3A_72 = vector.shape_cast %slice3A_71 : vector<1x19x1024xf32> to vector<19x1024xf32>
    %add3A_73 = arith.addf %squeeze3A_70, %squeeze3A_72 : vector<19x1024xf32>
    %slice3A_74 = vector.extract_strided_slice %get3A_2 {offsets = [26, 0, 0], sizes = [1, 19, 1024], strides = [1, 1, 1]} : vector<32x19x1024xf32> to vector<1x19x1024xf32>
    %squeeze3A_75 = vector.shape_cast %slice3A_74 : vector<1x19x1024xf32> to vector<19x1024xf32>
    %add3A_76 = arith.addf %add3A_73, %squeeze3A_75 : vector<19x1024xf32>
    %slice3A_77 = vector.extract_strided_slice %get3A_2 {offsets = [27, 0, 0], sizes = [1, 19, 1024], strides = [1, 1, 1]} : vector<32x19x1024xf32> to vector<1x19x1024xf32>
    %squeeze3A_78 = vector.shape_cast %slice3A_77 : vector<1x19x1024xf32> to vector<19x1024xf32>
    %add3A_79 = arith.addf %add3A_76, %squeeze3A_78 : vector<19x1024xf32>
    %slice3A_80 = vector.extract_strided_slice %get3A_2 {offsets = [28, 0, 0], sizes = [1, 19, 1024], strides = [1, 1, 1]} : vector<32x19x1024xf32> to vector<1x19x1024xf32>
    %squeeze3A_81 = vector.shape_cast %slice3A_80 : vector<1x19x1024xf32> to vector<19x1024xf32>
    %add3A_82 = arith.addf %add3A_79, %squeeze3A_81 : vector<19x1024xf32>
    %slice3A_83 = vector.extract_strided_slice %get3A_2 {offsets = [29, 0, 0], sizes = [1, 19, 1024], strides = [1, 1, 1]} : vector<32x19x1024xf32> to vector<1x19x1024xf32>
    %squeeze3A_84 = vector.shape_cast %slice3A_83 : vector<1x19x1024xf32> to vector<19x1024xf32>
    %add3A_85 = arith.addf %add3A_82, %squeeze3A_84 : vector<19x1024xf32>
    %slice3A_86 = vector.extract_strided_slice %get3A_2 {offsets = [30, 0, 0], sizes = [1, 19, 1024], strides = [1, 1, 1]} : vector<32x19x1024xf32> to vector<1x19x1024xf32>
    %squeeze3A_87 = vector.shape_cast %slice3A_86 : vector<1x19x1024xf32> to vector<19x1024xf32>
    %add3A_88 = arith.addf %add3A_85, %squeeze3A_87 : vector<19x1024xf32>
    %slice3A_89 = vector.extract_strided_slice %get3A_2 {offsets = [31, 0, 0], sizes = [1, 19, 1024], strides = [1, 1, 1]} : vector<32x19x1024xf32> to vector<1x19x1024xf32>
    %squeeze3A_90 = vector.shape_cast %slice3A_89 : vector<1x19x1024xf32> to vector<19x1024xf32>
    %add3A_91 = arith.addf %add3A_88, %squeeze3A_90 : vector<19x1024xf32>
    %stack3A = vector.shape_cast %add3A_22 : vector<19x1024xf32> to vector<1x19x1024xf32>
    %stack3A_92 = vector.shape_cast %add3A_45 : vector<19x1024xf32> to vector<1x19x1024xf32>
    %stack3A_93 = vector.shape_cast %add3A_68 : vector<19x1024xf32> to vector<1x19x1024xf32>
    %stack3A_94 = vector.shape_cast %add3A_91 : vector<19x1024xf32> to vector<1x19x1024xf32>
    %stack3A_95 = tpu.concatenate %stack3A, %stack3A_92, %stack3A_93, %stack3A_94 in 0 : vector<1x19x1024xf32>, vector<1x19x1024xf32>, vector<1x19x1024xf32>, vector<1x19x1024xf32> -> vector<4x19x1024xf32>
    %iota3A = tpu.iota {dimensions = array<i32: 2>} : vector<4x19x1024xi32>
    %convert_element_type3A = arith.sitofp %iota3A : vector<4x19x1024xi32> to vector<4x19x1024xf32>
    %lt3A = arith.constant 1.280000e+02 : f32
    %lt3A_96 = vector.broadcast %lt3A : f32 to vector<4x19x1024xf32>
    %lt3A_97 = arith.cmpf olt, %convert_element_type3A, %lt3A_96 : vector<4x19x1024xf32>
    %add3A_98 = arith.constant 5.000000e-01 : f32
    %add3A_99 = vector.broadcast %add3A_98 : f32 to vector<4x19x1024xf32>
    %add3A_100 = arith.addf %convert_element_type3A, %add3A_99 : vector<4x19x1024xf32>
    %mul3A = arith.constant 8.23129317E-4 : f32
    %mul3A_101 = vector.broadcast %mul3A : f32 to vector<4x19x1024xf32>
    %mul3A_102 = arith.mulf %add3A_100, %mul3A_101 : vector<4x19x1024xf32>
    %sub3A = arith.constant 1.280000e+02 : f32
    %sub3A_103 = vector.broadcast %sub3A : f32 to vector<4x19x1024xf32>
    %sub3A_104 = arith.subf %convert_element_type3A, %sub3A_103 : vector<4x19x1024xf32>
    %add3A_105 = arith.constant 5.000000e-01 : f32
    %add3A_106 = vector.broadcast %add3A_105 : f32 to vector<4x19x1024xf32>
    %add3A_107 = arith.addf %sub3A_104, %add3A_106 : vector<4x19x1024xf32>
    %mul3A_108 = arith.constant 0.00323062437 : f32
    %mul3A_109 = vector.broadcast %mul3A_108 : f32 to vector<4x19x1024xf32>
    %mul3A_110 = arith.mulf %add3A_107, %mul3A_109 : vector<4x19x1024xf32>
    %add3A_111 = arith.constant 0.105360545 : f32
    %add3A_112 = vector.broadcast %add3A_111 : f32 to vector<4x19x1024xf32>
    %add3A_113 = arith.addf %add3A_112, %mul3A_110 : vector<4x19x1024xf32>
    %select_n3A = arith.select %lt3A_97, %mul3A_102, %add3A_113 : vector<4x19x1024xi1>, vector<4x19x1024xf32>
    %reduce_sum3A = arith.constant dense<0.000000e+00> : vector<4x19xf32>
    %reduce_sum3A_114 = vector.multi_reduction <add>, %stack3A_95, %reduce_sum3A [2] : vector<4x19x1024xf32> to vector<4x19xf32>
    %broadcast_in_dim3A = vector.shape_cast %reduce_sum3A_114 : vector<4x19xf32> to vector<4x19x1xf32>
    %slice3A_115 = vector.extract_strided_slice %stack3A_95 {offsets = [0, 0, 0], sizes = [4, 19, 128], strides = [1, 1, 1]} : vector<4x19x1024xf32> to vector<4x19x128xf32>
    %reduce_sum3A_116 = arith.constant dense<0.000000e+00> : vector<4x19xf32>
    %reduce_sum3A_117 = vector.multi_reduction <add>, %slice3A_115, %reduce_sum3A_116 [2] : vector<4x19x128xf32> to vector<4x19xf32>
    %broadcast_in_dim3A_118 = vector.shape_cast %reduce_sum3A_117 : vector<4x19xf32> to vector<4x19x1xf32>
    %mul3A_119 = arith.constant 6.600000e-01 : f32
    %mul3A_120 = vector.broadcast %mul3A_119 : f32 to vector<4x19x1xf32>
    %mul3A_121 = arith.mulf %broadcast_in_dim3A, %mul3A_120 : vector<4x19x1xf32>
    %floor3A = math.floor %mul3A_121 : vector<4x19x1xf32>
    %max3A = arith.maximumf %floor3A, %broadcast_in_dim3A_118 : vector<4x19x1xf32>
    %broadcast_in_dim3A_122 = arith.constant 0.000000e+00 : f32
    %broadcast_in_dim3A_123 = vector.broadcast %broadcast_in_dim3A_122 : f32 to vector<4x19x1xf32>
    %slice3A_124 = vector.extract_strided_slice %stack3A_95 {offsets = [0, 0, 0], sizes = [4, 19, 1023], strides = [1, 1, 1]} : vector<4x19x1024xf32> to vector<4x19x1023xf32>
    %concatenate3A = tpu.concatenate %broadcast_in_dim3A_123, %slice3A_124 in 2 : vector<4x19x1xf32>, vector<4x19x1023xf32> -> vector<4x19x1024xf32>
    %add3A_125 = arith.addf %stack3A_95, %concatenate3A : vector<4x19x1024xf32>
    %broadcast_in_dim3A_126 = arith.constant 0.000000e+00 : f32
    %broadcast_in_dim3A_127 = vector.broadcast %broadcast_in_dim3A_126 : f32 to vector<4x19x2xf32>
    %slice3A_128 = vector.extract_strided_slice %add3A_125 {offsets = [0, 0, 0], sizes = [4, 19, 1022], strides = [1, 1, 1]} : vector<4x19x1024xf32> to vector<4x19x1022xf32>
    %concatenate3A_129 = tpu.concatenate %broadcast_in_dim3A_127, %slice3A_128 in 2 : vector<4x19x2xf32>, vector<4x19x1022xf32> -> vector<4x19x1024xf32>
    %add3A_130 = arith.addf %add3A_125, %concatenate3A_129 : vector<4x19x1024xf32>
    %broadcast_in_dim3A_131 = arith.constant 0.000000e+00 : f32
    %broadcast_in_dim3A_132 = vector.broadcast %broadcast_in_dim3A_131 : f32 to vector<4x19x4xf32>
    %slice3A_133 = vector.extract_strided_slice %add3A_130 {offsets = [0, 0, 0], sizes = [4, 19, 1020], strides = [1, 1, 1]} : vector<4x19x1024xf32> to vector<4x19x1020xf32>
    %concatenate3A_134 = tpu.concatenate %broadcast_in_dim3A_132, %slice3A_133 in 2 : vector<4x19x4xf32>, vector<4x19x1020xf32> -> vector<4x19x1024xf32>
    %add3A_135 = arith.addf %add3A_130, %concatenate3A_134 : vector<4x19x1024xf32>
    %broadcast_in_dim3A_136 = arith.constant 0.000000e+00 : f32
    %broadcast_in_dim3A_137 = vector.broadcast %broadcast_in_dim3A_136 : f32 to vector<4x19x8xf32>
    %slice3A_138 = vector.extract_strided_slice %add3A_135 {offsets = [0, 0, 0], sizes = [4, 19, 1016], strides = [1, 1, 1]} : vector<4x19x1024xf32> to vector<4x19x1016xf32>
    %concatenate3A_139 = tpu.concatenate %broadcast_in_dim3A_137, %slice3A_138 in 2 : vector<4x19x8xf32>, vector<4x19x1016xf32> -> vector<4x19x1024xf32>
    %add3A_140 = arith.addf %add3A_135, %concatenate3A_139 : vector<4x19x1024xf32>
    %broadcast_in_dim3A_141 = arith.constant 0.000000e+00 : f32
    %broadcast_in_dim3A_142 = vector.broadcast %broadcast_in_dim3A_141 : f32 to vector<4x19x16xf32>
    %slice3A_143 = vector.extract_strided_slice %add3A_140 {offsets = [0, 0, 0], sizes = [4, 19, 1008], strides = [1, 1, 1]} : vector<4x19x1024xf32> to vector<4x19x1008xf32>
    %concatenate3A_144 = tpu.concatenate %broadcast_in_dim3A_142, %slice3A_143 in 2 : vector<4x19x16xf32>, vector<4x19x1008xf32> -> vector<4x19x1024xf32>
    %add3A_145 = arith.addf %add3A_140, %concatenate3A_144 : vector<4x19x1024xf32>
    %broadcast_in_dim3A_146 = arith.constant 0.000000e+00 : f32
    %broadcast_in_dim3A_147 = vector.broadcast %broadcast_in_dim3A_146 : f32 to vector<4x19x32xf32>
    %slice3A_148 = vector.extract_strided_slice %add3A_145 {offsets = [0, 0, 0], sizes = [4, 19, 992], strides = [1, 1, 1]} : vector<4x19x1024xf32> to vector<4x19x992xf32>
    %concatenate3A_149 = tpu.concatenate %broadcast_in_dim3A_147, %slice3A_148 in 2 : vector<4x19x32xf32>, vector<4x19x992xf32> -> vector<4x19x1024xf32>
    %add3A_150 = arith.addf %add3A_145, %concatenate3A_149 : vector<4x19x1024xf32>
    %broadcast_in_dim3A_151 = arith.constant 0.000000e+00 : f32
    %broadcast_in_dim3A_152 = vector.broadcast %broadcast_in_dim3A_151 : f32 to vector<4x19x64xf32>
    %slice3A_153 = vector.extract_strided_slice %add3A_150 {offsets = [0, 0, 0], sizes = [4, 19, 960], strides = [1, 1, 1]} : vector<4x19x1024xf32> to vector<4x19x960xf32>
    %concatenate3A_154 = tpu.concatenate %broadcast_in_dim3A_152, %slice3A_153 in 2 : vector<4x19x64xf32>, vector<4x19x960xf32> -> vector<4x19x1024xf32>
    %add3A_155 = arith.addf %add3A_150, %concatenate3A_154 : vector<4x19x1024xf32>
    %broadcast_in_dim3A_156 = arith.constant 0.000000e+00 : f32
    %broadcast_in_dim3A_157 = vector.broadcast %broadcast_in_dim3A_156 : f32 to vector<4x19x128xf32>
    %slice3A_158 = vector.extract_strided_slice %add3A_155 {offsets = [0, 0, 0], sizes = [4, 19, 896], strides = [1, 1, 1]} : vector<4x19x1024xf32> to vector<4x19x896xf32>
    %concatenate3A_159 = tpu.concatenate %broadcast_in_dim3A_157, %slice3A_158 in 2 : vector<4x19x128xf32>, vector<4x19x896xf32> -> vector<4x19x1024xf32>
    %add3A_160 = arith.addf %add3A_155, %concatenate3A_159 : vector<4x19x1024xf32>
    %broadcast_in_dim3A_161 = arith.constant 0.000000e+00 : f32
    %broadcast_in_dim3A_162 = vector.broadcast %broadcast_in_dim3A_161 : f32 to vector<4x19x256xf32>
    %slice3A_163 = vector.extract_strided_slice %add3A_160 {offsets = [0, 0, 0], sizes = [4, 19, 768], strides = [1, 1, 1]} : vector<4x19x1024xf32> to vector<4x19x768xf32>
    %concatenate3A_164 = tpu.concatenate %broadcast_in_dim3A_162, %slice3A_163 in 2 : vector<4x19x256xf32>, vector<4x19x768xf32> -> vector<4x19x1024xf32>
    %add3A_165 = arith.addf %add3A_160, %concatenate3A_164 : vector<4x19x1024xf32>
    %broadcast_in_dim3A_166 = arith.constant 0.000000e+00 : f32
    %broadcast_in_dim3A_167 = vector.broadcast %broadcast_in_dim3A_166 : f32 to vector<4x19x512xf32>
    %slice3A_168 = vector.extract_strided_slice %add3A_165 {offsets = [0, 0, 0], sizes = [4, 19, 512], strides = [1, 1, 1]} : vector<4x19x1024xf32> to vector<4x19x512xf32>
    %concatenate3A_169 = tpu.concatenate %broadcast_in_dim3A_167, %slice3A_168 in 2 : vector<4x19x512xf32>, vector<4x19x512xf32> -> vector<4x19x1024xf32>
    %add3A_170 = arith.addf %add3A_165, %concatenate3A_169 : vector<4x19x1024xf32>
    %sub3A_171 = arith.subf %add3A_170, %stack3A_95 : vector<4x19x1024xf32>
    %sub3A_172 = vector.broadcast %max3A : vector<4x19x1xf32> to vector<4x19x1024xf32>
    %sub3A_173 = arith.subf %sub3A_172, %sub3A_171 : vector<4x19x1024xf32>
    %jit3A = arith.constant 0.000000e+00 : f32
    %max3A_174 = vector.broadcast %jit3A : f32 to vector<4x19x1024xf32>
    %max3A_175 = arith.maximumf %max3A_174, %sub3A_173 : vector<4x19x1024xf32>
    %min3A = arith.minimumf %stack3A_95, %max3A_175 : vector<4x19x1024xf32>
    %mul3A_176 = arith.mulf %min3A, %select_n3A : vector<4x19x1024xf32>
    %reduce_sum3A_177 = vector.shape_cast %mul3A_176 : vector<4x19x1024xf32> to vector<1x4x19x1024xf32>
    %reduce_sum3A_178 = arith.constant dense<0.000000e+00> : vector<1xf32>
    %reduce_sum3A_179 = vector.multi_reduction <add>, %reduce_sum3A_177, %reduce_sum3A_178 [1, 2, 3] : vector<1x4x19x1024xf32> to vector<1xf32>
    %reduce_sum3A_180 = vector.shape_cast %reduce_sum3A_179 : vector<1xf32> to vector<1x1x1x1xf32>
    %reduce_sum3A_181 = vector.extract %reduce_sum3A_180[0, 0, 0, 0] : f32 from vector<1x1x1x1xf32>
    %reduce_sum3A_182 = vector.shape_cast %max3A : vector<4x19x1xf32> to vector<1x4x19x1xf32>
    %reduce_sum3A_183 = arith.constant dense<0.000000e+00> : vector<1xf32>
    %reduce_sum3A_184 = vector.multi_reduction <add>, %reduce_sum3A_182, %reduce_sum3A_183 [1, 2, 3] : vector<1x4x19x1xf32> to vector<1xf32>
    %reduce_sum3A_185 = vector.shape_cast %reduce_sum3A_184 : vector<1xf32> to vector<1x1x1x1xf32>
    %reduce_sum3A_186 = vector.extract %reduce_sum3A_185[0, 0, 0, 0] : f32 from vector<1x1x1x1xf32>
    %div3A = arith.divf %reduce_sum3A_181, %reduce_sum3A_186 : f32
    %reshape3A = vector.broadcast %div3A : f32 to vector<1x1xf32>
    %swap3A = arith.constant 0 : index
    %swap3A_187 = arith.constant 0 : index
    %swap3A_188 = vector.load %arg1[%swap3A, %swap3A_187] : memref<1x1xf32, #tpu.memory_space<vmem>>, vector<1x1xf32>
    tpu.vector_store %arg1[%swap3A, %swap3A_187], %reshape3A {strides = array<i32>} : memref<1x1xf32, #tpu.memory_space<vmem>>, vector<1x1xf32>,
    return
  }
}

</mosaic_0001>

<sc_bundles>
// kernel: kernel.5.cloned.1.call-start
scs
__scs_entry_jumppad:
0x0: {  	(pc) =	sbr.rel $0x88, $3  }
0x1: {  	(tag) =	ssettag $0x0;
	lr =	simm.s32 $0x1  }
0x2: {  	[smem:$0x3FA0] =	sst lr;
	_ =	strace $0xD0000000  }
0x3: {  	_ = 	snop  }
0x4: {  	_ = 	snop  }
0x5: {  	_ = 	snop  }
0x6: {  	_ = 	snop  }
0x7: {  	_ = 	snop  }
__scs_overlays_trampoline_lowered:
0x8: {  	[smem:$0x3FAF] =	sst s0  }
0x9: {  	[smem:$0x3FB0] =	sst s1  }
0xa: {  	[smem:$0x3FB1] =	sst s2  }
0xb: {  	[smem:$0x3FB2] =	sst s3  }
0xc: {  	[smem:$0x3FB3] =	sst s4  }
0xd: {  	[smem:$0x3FB4] =	sst s5  }
0xe: {  	[smem:$0x3FB5] =	sst s6  }
0xf: {  	[smem:$0x3FB6] =	sst s7  }
0x10: {  	[smem:$0x3FB7] =	sst s8  }
0x11: {  	[smem:$0x3FB8] =	sst s9;
	s0 =	simm.s32 @!p0 $0x0  }
0x12: {  	s1 =	sld [smem:$0x3F9E];
	s0 =	simm.s32 @p0 $0x1  }
0x13: {  	[smem:$0x3FB9] =	sst s0;
	s0 =	simm.s32 @!p1 $0x0  }
0x14: {  	s2 =	sld [smem:$0x3F9D];
	s0 =	simm.s32 @p1 $0x1  }
0x15: {  	[smem:$0x3FBA] =	sst s0;
	s0 =	simm.s32 @!p2 $0x0  }
0x16: {  	s3 =	sld [smem:$0x3FDB];
	s0 =	simm.s32 @p2 $0x1  }
0x17: {  	s4 =	simm.s32 $0x1BF5;
	[smem:$0x3FBC] =	sst s0  }
0x18: {  	s0 =	sld [smem:$0x3F9F];
	_ =	swait.ge [sflag:s4], $0x0  }
0x19: {  	s7 =	sld [smem:$0x3FA0]  }
0x1a: {  	s8 =	sadd.s32 $0xFFFFE003, lr  }
0x1b: {  	s9 =	sadd.s32 $0xFFFFFEF7, lr;
	s5 =	simm.s32 $0xFFFFFFFF;
	p2 =	slt.u32 s8, $0xFFFFF086  }
0x1c: {  	p1 =	slt.u32 s9, $0xF7A;
	s5 =	simm.s32 @!p2 $0x0  }
0x1d: {  	s5 =	simm.s32 @p1 $0x1;
	p0 =	seq.s32 s7, s2  }
0x1e: {  	s7 =	smul.u32 @!p0 $0xF7A, s2;
	p2 =	seq.s32 @!p0 s5, $0x0  }
0x1f: {  	s9 =	smul.u32 $0xF7A, s1;
	s8 =	simm.s32 @!p0 $0x1BF5;
	p2 =	por !p2, p0  }
0x20: {  	[sflag:s8] =	ssyncset.s32 @!p0 $0xFFFFF086;
	s6 =	sadd.s32 @!p0 s3, s7;
	s7 =	simm.s32 @!p0 $0x108  }
0x21: {  	s3 =	sadd.s32 s3, s9;
	s6 =	sadd.s32 @!p0 $0x88, s6;
	s7 =	simm.s32 @p2 $0x1082  }
0x22: {  	[simem:s7], [sflag:s8] =	dma.local @!p0 [hbm:s6], $0xF7A  }
0x23: {  	s9 =	sor.u32 $0xD0000000, s2;
	s6 =	simm.s32 $0x108;
	_ =	swait.ge @!p0 [sflag:s8], $0x0  }
0x24: {  	s3 =	sadd.s32 $0x88, s3;
	s6 =	simm.s32 @!p1 $0x1082;
	[sflag:s4] =	ssyncset.s32 $0xFFFFF086  }
0x25: {  	[simem:s6], [sflag:s4] =	dma.local [hbm:s3], $0xF7A  }
0x26: {  	[smem:$0x3FA0] =	sst s1;
	(tag) =	ssettag s2;
	_ =	strace s9  }
0x27: {  	s1 =	sld [smem:$0x3FB0]  }
0x28: {  	s2 =	sld [smem:$0x3FB1]  }
0x29: {  	s4 =	sld [smem:$0x3FB3]  }
0x2a: {  	p0 =	seq.s32 s5, $0x0;
	s5 =	sld [smem:$0x3FB4]  }
0x2b: {  	s6 =	sld [smem:$0x3FB5]  }
0x2c: {  	s7 =	sld [smem:$0x3FB6]  }
0x2d: {  	s3 =	simm.s32 $0x108;
	s8 =	sld [smem:$0x3FB7]  }
0x2e: {  	s3 =	simm.s32 @!p0 $0x1082;
	s9 =	sld [smem:$0x3FB8]  }
0x2f: {  	lr =	sadd.s32 s0, s3;
	s0 =	sld [smem:$0x3FAF]  }
0x30: {  	s3 =	sld [smem:$0x3FB2]  }
0x31: {  	[smem:$0x3FBB] =	sst s10  }
0x32: {  	s10 =	sld [smem:$0x3FB9];
	_ =	sdelay $0x3  }
0x33: {  	p0 =	seq.s32 s10, $0x1;
	s10 =	sld [smem:$0x3FBB];
	_ =	sdelay $0x3  }
0x34: {  	[smem:$0x3FBB] =	sst s10  }
0x35: {  	s10 =	sld [smem:$0x3FBA];
	_ =	sdelay $0x3  }
0x36: {  	p1 =	seq.s32 s10, $0x1;
	s10 =	sld [smem:$0x3FBB];
	_ =	sdelay $0x3  }
0x37: {  	[smem:$0x3FBB] =	sst s10  }
0x38: {  	s10 =	sld [smem:$0x3FBC]  }
0x39: {  	_ = 	snop;
	(pc) =	sbr.ind lr, $3  }
0x3a: {  	_ = 	snop  }
0x3b: {  	_ = 	snop  }
0x3c: {  	p2 =	seq.s32 s10, $0x1;
	s10 =	sld [smem:$0x3FBB]  }
0x3d: {  	_ =	shalt  }
0x3e: {  	_ =	shalt  }
0x3f: {  	_ =	shalt  }
0x40: {  	_ =	shalt  }
0x41: {  	_ =	shalt  }
0x42: {  	_ =	shalt  }
0x43: {  	_ =	shalt  }
0x44: {  	_ =	shalt  }
0x45: {  	_ =	shalt  }
0x46: {  	_ =	shalt  }
0x47: {  	_ =	shalt  }
0x48: {  	_ =	shalt  }
0x49: {  	_ =	shalt  }
0x4a: {  	_ =	shalt  }
0x4b: {  	_ =	shalt  }
0x4c: {  	_ =	shalt  }
0x4d: {  	_ =	shalt  }
0x4e: {  	_ =	shalt  }
0x4f: {  	_ =	shalt  }
0x50: {  	_ =	shalt  }
0x51: {  	_ =	shalt  }
0x52: {  	_ =	shalt  }
0x53: {  	_ =	shalt  }
0x54: {  	_ =	shalt  }
0x55: {  	_ =	shalt  }
0x56: {  	_ =	shalt  }
0x57: {  	_ =	shalt  }
0x58: {  	_ =	shalt  }
0x59: {  	_ =	shalt  }
0x5a: {  	_ =	shalt  }
0x5b: {  	_ =	shalt  }
0x5c: {  	_ =	shalt  }
0x5d: {  	_ =	shalt  }
0x5e: {  	_ =	shalt  }
0x5f: {  	_ =	shalt  }
0x60: {  	_ =	shalt  }
0x61: {  	_ =	shalt  }
0x62: {  	_ =	shalt  }
0x63: {  	_ =	shalt  }
0x64: {  	_ =	shalt  }
0x65: {  	_ =	shalt  }
0x66: {  	_ =	shalt  }
0x67: {  	_ =	shalt  }
0x68: {  	_ =	shalt  }
0x69: {  	_ =	shalt  }
0x6a: {  	_ =	shalt  }
0x6b: {  	_ =	shalt  }
0x6c: {  	_ =	shalt  }
0x6d: {  	_ =	shalt  }
0x6e: {  	_ =	shalt  }
0x6f: {  	_ =	shalt  }
0x70: {  	_ =	shalt  }
0x71: {  	_ =	shalt  }
0x72: {  	_ =	shalt  }
0x73: {  	_ =	shalt  }
0x74: {  	_ =	shalt  }
0x75: {  	_ =	shalt  }
0x76: {  	_ =	shalt  }
0x77: {  	_ =	shalt  }
0x78: {  	_ =	shalt  }
0x79: {  	_ =	shalt  }
0x7a: {  	_ =	shalt  }
0x7b: {  	_ =	shalt  }
0x7c: {  	_ =	shalt  }
0x7d: {  	_ =	shalt  }
0x7e: {  	_ =	shalt  }
0x7f: {  	_ =	shalt  }
0x80: {  	_ =	shalt  }
0x81: {  	_ =	shalt  }
0x82: {  	_ =	shalt  }
0x83: {  	_ =	shalt  }
0x84: {  	_ =	shalt  }
0x85: {  	_ =	shalt  }
0x86: {  	_ =	shalt  }
0x87: {  	_ =	shalt  }
.Lfunc_end0:
.L_simem_size_0:
called_computation_lowered:
.L_overlay_start_0:
0x88: {  	s2 =	sld [smem:$0x3FD9]  }
0x89: {  	s3 =	sld [smem:$0x3FFE];
	_ =	sdelay $0x1  }
0x8a: {  	s1 =	srdreg.scid  }
0x8b: {  	s0 =	sand.u32 $0x1, s1  }
0x8c: {  	s16 =	sshll.u32 s0, $0xA;
	s2 =	sadd.s32 s3, s2  }
0x8d: {  	s2 =	sadd.s32 s2, s16  }
0x8e: {  	[smem:$0x3FC7] =	sst s2  }
0x8f: {  	_ = 	snop  }
0x90: {  	(tm) =	ssettm $0x1  }
0x91: {  	s17 =	sld [smem:$0x3FFB];
	_ =	sdelay $0x3  }
0x92: {  	_ =	strace s17  }
0x93: {  	s2 =	sld [smem:$0x3FFC];
	_ =	sdelay $0x3  }
0x94: {  	_ =	strace s2  }
0x95: {  	s2 =	sld [smem:$0x3FFD];
	_ =	sdelay $0x3  }
0x96: {  	_ =	strace s2  }
0x97: {  	_ =	strace $0x8FFFFFFF  }
0x98: {  	s18 =	sld [smem:$0x3FDB];
	_ =	sdelay $0x1  }
0x99: {  	s19 =	simm.s32 $_scs_section_size  }
0x9a: {  	s4 =	simm.s32 $_size__tile_overlayer_lowered;
	s5 =	simm.s32 $_tile_overlayer_lowered  }
0x9b: {  	s22 =	simm.s32 $0x1BFF;
	s21 =	sshll.u32 s5, $0x1;
	s2 =	sadd.s32 s19, s18  }
0x9c: {  	s6 =	simm.s32 $0x0;
	s20 =	sshll.u32 s4, $0x1;
	s4 =	sadd.s32 s21, s2  }
0x9d: {  	[timem:s6], [sflag:s22] =	dma.local [hbm:s4], s20  }
0x9e: {  	_ =	swait.ge [sflag:s22], s20  }
0x9f: {  	s3 =	ssub.s32 $0x0, s20;
	[sflag:s22] =	ssyncset.done $0x0  }
0xa0: {  	[sflag:s22] =	ssyncadd.s32 s3;
	_ =	sdelay $0x1  }
0xa1: {  	s23 =	simm.s32 $0x1B8B  }
0xa2: {  	_ =	swait.ge [sflag:s23], $0x1  }
0xa3: {  	[sflag:s23] =	ssyncset.done $0x0  }
0xa4: {  	s25 =	simm.s32 $0x1B8E;
	s24 =	sld [smem:$0x3FFE];
	[sflag:s23] =	ssyncadd.s32 $0xFFFFFFFF  }
0xa5: {  	s26 =	simm.s32 $execute0_lowered;
	[smem:$0x3FD2] =	sst s25  }
0xa6: {  	s4 =	sshll.u32 s26, $0x1;
	_ =	strace $0x80000046;
	[dreg:$0x1] =	wrdreg $0xFFFFFFFF  }
0xa7: {  	s28 =	simm.s32 $_size_execute0_lowered;
	s2 =	sadd.s32 s2, s4;
	[dreg:$0x0] =	wrdreg $0x0  }
0xa8: {  	s4 =	sshll.u32 s28, $0x1;
	[dreg:$0x2] =	wrdreg s2  }
0xa9: {  	[dreg:$0x3] =	wrdreg s4  }
0xaa: {  	[dreg:$0x4] =	wrdreg $0xC0  }
0xab: {  	_ =	task [dreg:s6], $0x5FFFF  }
0xac: {  	[dreg:$0x1] =	wrdreg $0xFFFFFFFF  }
0xad: {  	[dreg:$0x0] =	wrdreg $0x60  }
0xae: {  	[dreg:$0x2] =	wrdreg s24  }
0xaf: {  	[dreg:$0x3] =	wrdreg $0x9  }
0xb0: {  	_ =	task.clear_ibuf [dreg:s6], $0x4FFFF;
	_ =	strace $0x90000046  }
0xb1: {  	s29 =	simm.s32 $0x9;
	_ =	strace $0x80000048  }
0xb2: {  	_ =	swait.ge [sflag:s29], $0x1  }
0xb3: {  	[sflag:s29] =	ssyncadd.s32 $0xFFFFFFFF  }
0xb4: {  	_ =	strace $0x90000048  }
0xb5: {  	_ =	sfence  }
0xb6: {  	s30 =	sld [smem:$0x0];
	_ =	sdelay $0x2  }
0xb7: {  	s31 =	sshll.u32 s1, $0xD;
	s1 =	sshrl.u32 s1, $0x2  }
0xb8: {  	s3 =	sand.u32 $0x4000, s31;
	s1 =	sadd.s32 s1, s30  }
0xb9: {  	s0 =	sor.u32 s3, s0;
	s1 =	sshll.u32 s1, $0x11  }
0xba: {  	s0 =	sor.u32 s1, s0  }
0xbb: {  	s0 =	sadd.s32 $0x8F2B, s0  }
0xbc: {  	[sflag:s0] =	ssyncadd.remote.s32 $0x1  }
0xbd: {  	_ =	sfence.sel $0xFFFF  }
0xbe: {  	[dreg:$0x0] =	wrdreg $0xFFFFFFFF;
	(pc) =	sbr.abs _section_cstart, $3  }
0xbf: {  	[dreg:$0x1] =	wrdreg $0xFFFFFFFF  }
0xc0: {  	_ =	task.clear_ibuf [dreg:s6], $0x2FFFF;
	_ =	strace $0x9FFFFFFF  }
0xc1: {  	(tm) =	ssettm $0x7FFFFFFF  }
tec
execute0_lowered:
.L_overlay_start_1:
0x0: {  	(tag) =	ssettag $0x1  }
0x1: {  	s3 =	rddreg [dreg:$0x0]  }
0x2: {  	s0 =	rddreg [dreg:$0x1];
	s4 =	srdreg.scid  }
0x3: {  	s1 =	stileid.u32;
	s2 =	simm.s32 $0x0;
	s8 =	simm.s32 $0x2  }
0x4: {  	s9 =	simm.s32 $0x0;
	s4 =	sand.u32 $0x1, s4;
	s5 =	sshll.u32 s1, $0x1  }
0x5: {  	[smem:$0x7FF] =	sst s2;
	s5 =	sor.u32 s4, s5;
	s4 =	ssub.s32 $0x2, s4  }
0x6: {  	s6 =	sshll.u32 s5, $0xC;
	s5 =	smul.u32 $0xC00, s5;
	s7 =	sshrl.u32 s4, $0x1  }
0x7: {  	_ =	strace $0x80000047;
	s6 =	sadd.s32 s6, s3;
	s7 =	ssub.s32 s4, s7  }
0x8: {  	s5 =	sadd.s32 s5, s3;
	s3 =	sadd.s32 $0x800, s6;
	s6 =	simm.s32 $0x1  }
0x9: {  	v0 =	vimm.f32 $0.0e+00;
	v1 =	vimm.f32 $1.000000000e+00;
	s4 =	sadd.s32 $0x20800, s5;
	s5 =	smax.u32 s7, $0x1;
	s7 =	simm.s32 $0x8000  }
.LBB2_1:
0xa: {  	[tilespmem:s2], [sflag:$0x1] =	stream.linear.gather [hbm4b:s3+s2], $0x8000, $0x38;
	[tilespmem:$0xE000] =	vst v63  }
0xb: {  	s10 =	simm.s32 $0x0  }
0xc: {  	s11 =	sand.u32 $0x1C00, s2;
	s12 =	simm.s32 $0x0;
	s10 =	sand.u32 $0x6000, s10  }
0xd: {  	s12 =	sand.u32 $0x380, s12;
	s10 =	sor.u32 s11, s10  }
0xe: {  	s11 =	sor.u32 s12, s10  }
0xf: {  	[tilespmem:s11+$0x8070] =	vst v0  }
0x10: {  	[tilespmem:s11+$0x8000] =	vst v0  }
0x11: {  	s10 =	simm.s32 $0x0;
	s12 =	simm.s32 $0x0;
	[tilespmem:s11+$0x8010] =	vst v0  }
.LBB2_2:
0x12: {  	s10 =	sadd.s32 $0x8, s10;
	[tilespmem:s11+$0x8020] =	vst v0  }
0x13: {  	s12 =	sadd.s32 $0x400, s12;
	s13 =	sshll.u32 s10, $0x4;
	p0 =	slt.u32 s10, $0x4B8;
	[tilespmem:s11+$0x8030] =	vst v0  }
0x14: {  	s14 =	sand.u32 $0x1C00, s12;
	s15 =	sshll.u32 s10, $0x1;
	s13 =	sand.u32 $0x6000, s13;
	[tilespmem:s11+$0x8040] =	vst v0  }
.Ltmp0:
0x15: {  	s15 =	sand.u32 $0x380, s15;
	s13 =	sor.u32 s14, s13;
	[tilespmem:s11+$0x8050] =	vst v0;
	(pc) =	sbr.rel @p0 .LBB2_2-.Ltmp0, $4  }
0x16: {  	[tilespmem:s11+$0x8060] =	vst v0;
	s11 =	sor.u32 s15, s13  }
0x17: {  	[tilespmem:s11+$0x8070] =	vst v0  }
0x18: {  	[tilespmem:s11+$0x8000] =	vst v0  }
0x19: {  	[tilespmem:s11+$0x8010] =	vst v0  }
0x1a: {  	[tilespmem:s11+$0x8020] =	vst v0  }
0x1b: {  	[tilespmem:s11+$0x8030] =	vst v0  }
0x1c: {  	[tilespmem:s11+$0x8040] =	vst v0  }
0x1d: {  	[tilespmem:s11+$0x8050] =	vst v0;
	s10 =	simm.s32 $0x0;
	s12 =	simm.s32 $0x0  }
0x1e: {  	[tilespmem:s11+$0x8060] =	vst v0;
	s13 =	simm.s32 $0x0;
	s29 =	sand.u32 $0x7000, s12;
	s30 =	sand.u32 $0xC00, s10  }
0x1f: {  	_ =	swait.ge [sflag:s6], $0x8000;
	s13 =	sand.u32 $0x380, s13;
	s11 =	sor.u32 s30, s29  }
0x20: {  	s31 =	sand.u32 $0x40, s10;
	[sflag:s6] =	ssyncset.done $0x0;
	s11 =	sor.u32 s13, s11  }
0x21: {  	[sflag:s6] =	ssyncadd.s32 $0xFFFF8000;
	s11 =	sor.u32 s31, s11  }
0x22: {  	v6 =	vld [tilespmem:s11+$0x30]  }
0x23: {  	v2 =	vld [tilespmem:s11+$0x0]  }
0x24: {  	v3 =	vld [tilespmem:s11+$0x10]  }
0x25: {  	v4 =	vld [tilespmem:s11+$0x20];
	_ =	sdelay $0x2  }
0x26: {  	v7 =	vand.u32 $0xFFFFFFE0, v6  }
0x27: {  	v8 =	vand.u32 $0xFFFFFFE0, v2;
	v5 =	vshll.u32 v2, $0xA;
	v12 =	vand.u32 $0xFFFFFFE0, v3  }
0x28: {  	v14 =	vand.u32 $0xFFFFFFE0, v4;
	v60 =	vshll.u32 v6, $0xA;
	v9 =	vadd.f32 $-1.053605450e-01, v7  }
0x29: {  	v6 =	vshll.u32 v6, $0x7;
	v10 =	vmul.f32 $1.214875980e+03, v8;
	v11 =	vadd.f32 $-1.053605450e-01, v8  }
0x2a: {  	v13 =	vadd.f32 $-1.053605450e-01, v12;
	v15 =	vadd.f32 $-1.053605450e-01, v14;
	v9 =	vmul.f32 $3.095376890e+02, v9  }
0x2b: {  	v16 =	vmul.f32 $1.214875980e+03, v7;
	vm2 =	vlt.f32 v12, $1.053605450e-01;
	v12 =	vmul.f32 $1.214875980e+03, v12  }
0x2c: {  	vm1 =	vlt.f32 v14, $1.053605450e-01;
	v14 =	vmul.f32 $1.214875980e+03, v14;
	v9 =	vtrunc.f32 v9  }
0x2d: {  	vm0 =	vlt.f32 v8, $1.053605450e-01;
	v59 =	vtrunc.f32 v16;
	v9 =	vcvt.f32.s32 v9  }
0x2e: {  	v6 =	vand.u32 $0x380, v6;
	v8 =	vmul.f32 $3.095376890e+02, v13;
	v13 =	vcvt.f32.s32 v59  }
0x2f: {  	v11 =	vmul.f32 $3.095376890e+02, v11;
	v15 =	vmul.f32 $3.095376890e+02, v15;
	v9 =	vadd.s32 $0x80, v9  }
0x30: {  	v10 =	vtrunc.f32 v10;
	vm3 =	vlt.s32 v13, $0x7F;
	vm4 =	vlt.s32 v9, $0x3FF  }
0x31: {  	v13 =	vnsel vm3, $0x7F, v13;
	vm3 =	vlt.f32 v7, $1.053605450e-01;
	v9 =	vnsel vm4, $0x3FF, v9  }
0x32: {  	v12 =	vtrunc.f32 v12;
	v10 =	vcvt.f32.s32 v10;
	v9 =	vsel vm3, v13, v9  }
0x33: {  	v11 =	vtrunc.f32 v11;
	v7 =	vtrunc.f32 v8;
	v61 =	vshll.u32 v9, $0x3  }
0x34: {  	v8 =	vtrunc.f32 v15;
	v13 =	vand.u32 $0x6000, v60;
	v15 =	vand.u32 $0xFFFFFC00, v61  }
0x35: {  	v12 =	vcvt.f32.s32 v12;
	v11 =	vcvt.f32.s32 v11;
	v13 =	vadd.s32 v13, v15  }
0x36: {  	vm5 =	vlt.s32 v10, $0x7F;
	v9 =	vand.u32 $0x7F, v9;
	v6 =	vor.u32 v6, v13  }
0x37: {  	v7 =	vcvt.f32.s32 v7;
	v8 =	vcvt.f32.s32 v8;
	v9 =	vor.u32 v9, v6  }
0x38: {  	vm6 =	vlt.s32 v12, $0x7F;
	v10 =	vnsel vm5, $0x7F, v10;
	v11 =	vadd.s32 $0x80, v11  }
0x39: {  	v62 =	vadd.s32 $0x80, v7;
	v63 =	vadd.s32 $0x80, v8;
	v6 =	vtrunc.f32 v14  }
0x3a: {  	vm3 =	vlt.s32 v11, $0x3FF;
	vm4 =	vlt.s32 v62, $0x3FF;
	v6 =	vcvt.f32.s32 v6  }
0x3b: {  	vm7 =	vlt.s32 v63, $0x3FF;
	v7 =	vnsel vm3, $0x3FF, v11;
	v8 =	vnsel vm4, $0x3FF, v62  }
0x3c: {  	s12 =	simm.s32 $0x0;
	s11 =	simm.s32 $0x0;
	v11 =	vnsel vm6, $0x7F, v12;
	vm3 =	vlt.s32 v6, $0x7F;
	[tilespmem:v9+s7+$0x0] =	vst.idx.add.f32.msk $0xffff, v1;
	v9 =	vnsel vm7, $0x3FF, v63  }
.LBB2_4:
0x3d: {  	s11 =	sadd.s32 $0x4, s11;
	v7 =	vsel vm0, v10, v7;
	v8 =	vsel vm2, v11, v8;
	v6 =	vnsel vm3, $0x7F, v6  }
0x3e: {  	s10 =	sadd.s32 $0x200, s10;
	s13 =	sshll.u32 s11, $0x4;
	p0 =	slt.u32 s11, $0x7FC;
	v10 =	vshll.u32 v7, $0x3;
	v11 =	vshll.u32 v8, $0x3;
	v6 =	vsel vm1, v6, v9  }
0x3f: {  	v12 =	vshll.u32 v4, $0xA;
	s14 =	sand.u32 $0xC00, s10;
	s15 =	sshll.u32 s11, $0x2;
	v9 =	vshll.u32 v3, $0xA;
	s13 =	sand.u32 $0x7000, s13;
	v13 =	vshll.u32 v6, $0x3  }
0x40: {  	s12 =	sadd.s32 $0x40, s12;
	s15 =	sand.u32 $0x380, s15;
	v10 =	vand.u32 $0xFFFFFC00, v10;
	v11 =	vand.u32 $0xFFFFFC00, v11;
	s13 =	sor.u32 s14, s13;
	v13 =	vand.u32 $0xFFFFFC00, v13  }
0x41: {  	v5 =	vand.u32 $0x6000, v5;
	v12 =	vand.u32 $0x6000, v12;
	v9 =	vand.u32 $0x6000, v9;
	s14 =	sand.u32 $0x40, s12;
	s13 =	sor.u32 s15, s13  }
0x42: {  	v14 =	vshll.u32 v2, $0x7;
	v4 =	vshll.u32 v4, $0x7;
	v3 =	vshll.u32 v3, $0x7;
	s13 =	sor.u32 s14, s13  }
0x43: {  	v5 =	vadd.s32 v5, v10;
	v9 =	vadd.s32 v9, v11;
	v10 =	vadd.s32 v12, v13;
	v15 =	vld [tilespmem:s13+$0x30]  }
0x44: {  	v4 =	vand.u32 $0x380, v4;
	v11 =	vand.u32 $0x380, v14;
	v12 =	vand.u32 $0x380, v3;
	v2 =	vld [tilespmem:s13+$0x0]  }
0x45: {  	v5 =	vor.u32 v11, v5;
	v9 =	vor.u32 v12, v9;
	v10 =	vor.u32 v4, v10;
	v3 =	vld [tilespmem:s13+$0x10]  }
0x46: {  	v7 =	vand.u32 $0x7F, v7;
	v8 =	vand.u32 $0x7F, v8;
	v6 =	vand.u32 $0x7F, v6;
	v4 =	vld [tilespmem:s13+$0x20]  }
0x47: {  	v7 =	vor.u32 v7, v5;
	v8 =	vor.u32 v8, v9;
	v6 =	vor.u32 v6, v10  }
0x48: {  	v9 =	vand.u32 $0xFFFFFFE0, v15  }
0x49: {  	v10 =	vand.u32 $0xFFFFFFE0, v2;
	v5 =	vshll.u32 v2, $0xA;
	v11 =	vadd.f32 $-1.053605450e-01, v9  }
0x4a: {  	v12 =	vmul.f32 $1.214875980e+03, v10;
	v13 =	vadd.f32 $-1.053605450e-01, v10;
	v14 =	vand.u32 $0xFFFFFFE0, v3  }
0x4b: {  	v16 =	vadd.f32 $-1.053605450e-01, v14;
	v17 =	vand.u32 $0xFFFFFFE0, v4;
	v11 =	vmul.f32 $3.095376890e+02, v11  }
0x4c: {  	v19 =	vmul.f32 $1.214875980e+03, v9;
	v13 =	vmul.f32 $3.095376890e+02, v13;
	v18 =	vadd.f32 $-1.053605450e-01, v17;
	[tilespmem:v7+s7+$0x0] =	vst.idx.add.f32.msk $0xffff, v1  }
0x4d: {  	vm0 =	vlt.f32 v10, $1.053605450e-01;
	v7 =	vmul.f32 $3.095376890e+02, v16;
	v10 =	vtrunc.f32 v11;
	[tilespmem:v8+s7+$0x0] =	vst.idx.add.f32.msk $0xffff, v1  }
0x4e: {  	vm2 =	vlt.f32 v14, $1.053605450e-01;
	v8 =	vtrunc.f32 v19;
	v10 =	vcvt.f32.s32 v10;
	[tilespmem:v6+s7+$0x0] =	vst.idx.add.f32.msk $0xffff, v1  }
0x4f: {  	vm1 =	vlt.f32 v17, $1.053605450e-01;
	v6 =	vmul.f32 $3.095376890e+02, v18;
	v8 =	vcvt.f32.s32 v8  }
0x50: {  	v11 =	vmul.f32 $1.214875980e+03, v14;
	v14 =	vmul.f32 $1.214875980e+03, v17;
	v10 =	vadd.s32 $0x80, v10  }
0x51: {  	v13 =	vtrunc.f32 v13;
	vm3 =	vlt.s32 v8, $0x7F;
	vm4 =	vlt.s32 v10, $0x3FF  }
0x52: {  	v8 =	vnsel vm3, $0x7F, v8;
	vm3 =	vlt.f32 v9, $1.053605450e-01;
	v10 =	vnsel vm4, $0x3FF, v10  }
0x53: {  	v7 =	vtrunc.f32 v7;
	v6 =	vtrunc.f32 v6;
	v8 =	vsel vm3, v8, v10  }
0x54: {  	v9 =	vcvt.f32.s32 v13;
	v10 =	vshll.u32 v15, $0xA;
	v13 =	vshll.u32 v8, $0x3  }
0x55: {  	v15 =	vshll.u32 v15, $0x7;
	v10 =	vand.u32 $0x6000, v10;
	v13 =	vand.u32 $0xFFFFFC00, v13  }
0x56: {  	v7 =	vcvt.f32.s32 v7;
	v10 =	vadd.s32 v10, v13;
	v13 =	vand.u32 $0x380, v15  }
0x57: {  	v15 =	vcvt.f32.s32 v6;
	v6 =	vand.u32 $0x7F, v8;
	v8 =	vor.u32 v13, v10  }
0x58: {  	v11 =	vtrunc.f32 v11;
	v10 =	vtrunc.f32 v12;
	v12 =	vor.u32 v6, v8  }
0x59: {  	v10 =	vcvt.f32.s32 v10;
	v8 =	vadd.s32 $0x80, v9;
	v6 =	vtrunc.f32 v14  }
.Ltmp1:
0x5a: {  	v9 =	vcvt.f32.s32 v11;
	v11 =	vadd.s32 $0x80, v7;
	v6 =	vcvt.f32.s32 v6;
	(pc) =	sbr.rel @p0 .LBB2_4-.Ltmp1, $4  }
0x5b: {  	v13 =	vadd.s32 $0x80, v15;
	vm3 =	vlt.s32 v8, $0x3FF;
	vm4 =	vlt.s32 v11, $0x3FF  }
0x5c: {  	vm7 =	vlt.s32 v13, $0x3FF;
	vm5 =	vlt.s32 v10, $0x7F;
	vm6 =	vlt.s32 v9, $0x7F  }
0x5d: {  	v7 =	vnsel vm3, $0x3FF, v8;
	v8 =	vnsel vm4, $0x3FF, v11;
	vm3 =	vlt.s32 v6, $0x7F;
	[tilespmem:v12+s7+$0x0] =	vst.idx.add.f32.msk $0xffff, v1  }
0x5e: {  	v10 =	vnsel vm5, $0x7F, v10;
	v11 =	vnsel vm6, $0x7F, v9;
	v9 =	vnsel vm7, $0x3FF, v13  }
0x5f: {  	v7 =	vsel vm0, v10, v7;
	v8 =	vsel vm2, v11, v8  }
0x60: {  	v6 =	vnsel vm3, $0x7F, v6;
	v58 =	vshll.u32 v3, $0xA;
	v12 =	vshll.u32 v4, $0xA  }
0x61: {  	v5 =	vand.u32 $0x6000, v5;
	v2 =	vshll.u32 v2, $0x7;
	v3 =	vshll.u32 v3, $0x7  }
0x62: {  	v59 =	vshll.u32 v4, $0x7;
	v10 =	vshll.u32 v7, $0x3;
	v11 =	vshll.u32 v8, $0x3  }
0x63: {  	v6 =	vsel vm1, v6, v9;
	v9 =	vand.u32 $0x6000, v58;
	v12 =	vand.u32 $0x6000, v12  }
0x64: {  	v2 =	vand.u32 $0x380, v2;
	v3 =	vand.u32 $0x380, v3;
	v4 =	vand.u32 $0x380, v59  }
0x65: {  	v61 =	vand.u32 $0x7F, v7;
	v62 =	vand.u32 $0x7F, v8;
	v10 =	vand.u32 $0xFFFFFC00, v10  }
0x66: {  	v13 =	vshll.u32 v6, $0x3;
	v11 =	vand.u32 $0xFFFFFC00, v11;
	v5 =	vadd.s32 v5, v10  }
0x67: {  	v13 =	vand.u32 $0xFFFFFC00, v13;
	v9 =	vadd.s32 v9, v11;
	v2 =	vor.u32 v2, v5  }
0x68: {  	v60 =	vadd.s32 v12, v13;
	v3 =	vor.u32 v3, v9;
	v2 =	vor.u32 v61, v2  }
0x69: {  	v63 =	vand.u32 $0x7F, v6;
	v4 =	vor.u32 v4, v60;
	v3 =	vor.u32 v62, v3  }
0x6a: {  	v4 =	vor.u32 v63, v4;
	_ =	sdelay $0x2  }
0x6b: {  	s9 =	sadd.s32 $0x1, s9;
	[tilespmem:v2+s7+$0x0] =	vst.idx.add.f32.msk $0xffff, v1  }
0x6c: {  	p0 =	sne.s32 s9, s5;
	[tilespmem:v3+s7+$0x0] =	vst.idx.add.f32.msk $0xffff, v1  }
.Ltmp2:
0x6d: {  	[tilespmem:v4+s7+$0x0] =	vst.idx.add.f32.msk $0xffff, v1;
	(pc) =	sbr.rel @p0 .LBB2_1-.Ltmp2, $4  }
0x6e: {  	[hbm4b:s4+s2] =	stream.linear.scatter [tilespmem:s7], [sflag:$0x2], $0x6000, $0x38;
	[tilespmem:$0xE000] =	vst v63  }
0x6f: {  	_ =	swait.ge [sflag:s8], $0x6000  }
0x70: {  	[sflag:s8] =	ssyncset.done $0x0  }
0x71: {  	[sflag:s8] =	ssyncadd.s32 $0xFFFFA000  }
0x72: {  	_ =	sfence.sel $0x180000  }
0x73: {  	[bflag:$0x0] =	sbarrier.arrive $0xFFFF  }
0x74: {  	p0 =	sne.s32 s1, $0x0;
	_ =	strace $0x90000047  }
0x75: {  	s0 =	sadd.s32 @!p0 $0x100000, s0;
	[bflag:$0x2] =	sbarrier.arrive $0xFFFF  }
0x76: {  	[sflag:s0] =	ssyncadd.tile.s32 @!p0 $0x1;
	_ =	shalt  }
.Lfunc_end2:
_tile_overlayer_lowered:
.L_overlay_start_2:
0x77: {  	(tag) =	ssettag $0x2  }
0x78: {  	s0 =	rddreg [dreg:$0x0];
	s2 =	stileid.u32  }
0x79: {  	s1 =	rddreg [dreg:$0x1];
	p0 =	sne.s32 s2, $0x0  }
0x7a: {  	s3 =	rddreg [dreg:$0x2];
	[bflag:$0x3] =	sbarrier.arrive $0xFFFF;
	s2 =	simm.s32 @!p0 $0x1C02  }
0x7b: {  	[timem:s3], [sflag:s2] =	dma.local @!p0 [hbm:s0], s1  }
0x7c: {  	s0 =	simm.s32 @!p0 $0x2  }
0x7d: {  	_ =	swait.ge @!p0 [sflag:s0], s1  }
0x7e: {  	s1 =	ssub.s32 @!p0 $0x0, s1;
	[sflag:s0] =	ssyncset.done @!p0 $0x0  }
0x7f: {  	[sflag:s0] =	ssyncadd.s32 @!p0 s1  }
0x80: {  	[bflag:$0x3] =	sbarrier.arrive $0xFFFF  }
0x81: {  	_ =	shalt  }

</sc_bundles>
